<compile_context>
chip_gen: v7x
topology: tpu7x:2x2x1
jax: 0.10.2.dev20260603
libtpu: 0.0.44.dev20260713+nightly
codegen_flags: <defaults>
</compile_context>

<pallas_src>
import jax
import jax.numpy as jnp
from jax.experimental import pallas as pl
from jax.experimental.pallas import tpu as pltpu
from jax.experimental.pallas import tpu_sc as plsc


def _transform_body(e_ref, w_ref, t_ref):
    h = jax.lax.dot_general(
        e_ref[...], w_ref[...],
        (((1,), (1,)), ((), ())),
        preferred_element_type=jnp.float32,
    )
    t_ref[...] = h * jax.nn.sigmoid(h)


def kernel(atom_type, embedding_table, W):
    n_atoms = atom_type.shape[0]
    v, d = embedding_table.shape

    v_pad = -(-v // 8) * 8
    e = jnp.pad(embedding_table, ((0, v_pad - v), (0, 0)))
    table = pl.pallas_call(
        _transform_body,
        out_shape=jax.ShapeDtypeStruct((v_pad, d), jnp.float32),
    )(e, W)

    window = 128
    grid = n_atoms // window
    n_tail = n_atoms - grid * window
    tail_base = grid * window

    idx = atom_type.reshape(1, n_atoms).astype(jnp.int32)
    mesh = plsc.VectorSubcoreMesh(
        core_axis_name="core", subcore_axis_name="subcore"
    )

    @pl.kernel(
        out_type=jax.ShapeDtypeStruct((n_atoms, d), jnp.float32),
        mesh=mesh,
        scratch_types=[
            pltpu.VMEM_SHARED((v_pad, d), jnp.float32),
            pltpu.VMEM((n_tail,), jnp.int32),
            pltpu.VMEM((n_tail, d), jnp.float32),
        ],
    )
    def gather_kernel(t_hbm, i_hbm, o_hbm, t_shared, tail_idx, tail_rows):
        @pl.when(jax.lax.axis_index("subcore") == 0)
        def _load_table():
            pltpu.sync_copy(t_hbm, t_shared)

        plsc.subcore_barrier()

        def body(i_vmem, o_vmem):
            pltpu.sync_copy(t_shared.at[i_vmem.at[0]], o_vmem)

        pltpu.emit_pipeline(
            body,
            grid=(grid,),
            in_specs=[pl.BlockSpec((1, window), index_map=lambda i: (0, i))],
            out_specs=[pl.BlockSpec((window, d), index_map=lambda i: (i, 0))],
            core_axis_name=("core", "subcore"),
            dimension_semantics=(pltpu.PARALLEL,),
        )(i_hbm, o_hbm)

        wid = (jax.lax.axis_index("subcore") * 2 + jax.lax.axis_index("core"))

        @pl.when(wid == 0)
        def _tail():
            pltpu.sync_copy(i_hbm.at[0, pl.ds(tail_base, n_tail)], tail_idx)
            pltpu.sync_copy(t_shared.at[tail_idx], tail_rows)
            pltpu.sync_copy(tail_rows, o_hbm.at[pl.ds(tail_base, n_tail)])

    out = gather_kernel(table, idx)
    return out.reshape(n_atoms, 1, d)

# --- scband reference (transcript-rebuilt; emitter-appended) ---
"""Pipeline reference for scband-atom-type-embedding-515396076324 (READ-ONLY COPY).

The authoritative reference and input builder live on the scoring server;
editing this copy changes nothing except your own understanding.
"""

import jax, jax.numpy as jnp
import numpy as np

N_ATOMS = 100000
ATOM_FEAT_DIM = 128
MAX_NUM_ELEMENTS = 94


def setup_inputs(seed: int = 0) -> dict:
    key = jax.random.key(seed)
    k1, k2, k3 = jax.random.split(key, 3)
    atom_type = jax.random.randint(k1, (N_ATOMS, 1), 0, MAX_NUM_ELEMENTS, dtype=jnp.int64 if jax.config.jax_enable_x64 else jnp.int32)
    # nn.Embedding default init: N(0, 1)
    embedding_table = jax.random.normal(k2, (MAX_NUM_ELEMENTS, ATOM_FEAT_DIM), dtype=jnp.float32)
    # SwishLayer: Linear(atom_feat_dim, atom_feat_dim, bias=False) followed by SiLU
    bound = 1.0 / np.sqrt(ATOM_FEAT_DIM)
    W = jax.random.uniform(k3, (ATOM_FEAT_DIM, ATOM_FEAT_DIM), minval=-bound, maxval=bound, dtype=jnp.float32)
    return {"atom_type": atom_type, "embedding_table": embedding_table, "W": W}


def reference(atom_type, embedding_table, W):
    # node_feat = self.embedding(atom_type)  -> gather rows; [nAtoms, 1, D]
    node_feat = jnp.take(embedding_table, atom_type, axis=0)
    # SwishLayer: linear (no bias) then SiLU
    h = node_feat @ W.T
    out = h * jax.nn.sigmoid(h)
    return out


if False:  # reference __main__ guard neutralized (emitter)
    inp = setup_inputs()
    out = reference(**inp)
    print(out.shape, out.dtype)

if __name__ == "__main__":
    import jax
    _d = setup_inputs()
    print(jax.jit(kernel)(*tuple(_d.values())))

</pallas_src>

<mosaic_0001>
#map = affine_map<(d0, d1) -> (0, 0)>
module attributes {stable_mosaic.version = 14 : i64} {
  func.func @gather_kernel(%arg0: i32, %arg1: i32, %arg2: memref<96x128xf32, #tpu.memory_space<hbm>>, %arg3: memref<1x100000xi32, #tpu.memory_space<hbm>>, %arg4: memref<100000x128xf32, #tpu.memory_space<hbm>>, %arg5: memref<96x128xf32, #tpu.memory_space<vmem_shared>>, %arg6: memref<32xi32, #tpu.memory_space<vmem>>, %arg7: memref<32x128xf32, #tpu.memory_space<vmem>>) attributes {dimension_semantics = [#tpu.dimension_semantics<core_parallel>, #tpu.dimension_semantics<subcore_parallel>], iteration_bounds = array<i64: 2, 16>, scalar_prefetch = 0 : i64, scratch_operands = 3 : i64, tpu.core_type = #tpu.core_type<sc_vector_subcore>, window_params = [{transform_indices = #map}, {transform_indices = #map}, {transform_indices = #map}]} {
    %eq3A = arith.constant 0 : i32
    %eq3A_0 = arith.cmpi eq, %arg1, %eq3A : i32
    %convert_element_type3A = arith.extui %eq3A_0 : i1 to i32
    %cond3A = arith.constant 0 : i32
    %cond3A_1 = arith.cmpi ne, %convert_element_type3A, %cond3A : i32
    scf.if %cond3A_1 {
      "tpu.region"() ({
        %run_scoped3A = tpu.sem_alloc : memref<!tpu.dma_semaphore, #tpu.memory_space<semaphore_mem>>
        tpu.enqueue_dma source(%arg2 : memref<96x128xf32, #tpu.memory_space<hbm>>) target(%arg5 : memref<96x128xf32, #tpu.memory_space<vmem_shared>>) target_semaphore(%run_scoped3A : memref<!tpu.dma_semaphore, #tpu.memory_space<semaphore_mem>>)
        tpu.wait_dma2 semaphore(%run_scoped3A : memref<!tpu.dma_semaphore, #tpu.memory_space<semaphore_mem>>) src(%arg2 : memref<96x128xf32, #tpu.memory_space<hbm>>) dst(%arg5 : memref<96x128xf32, #tpu.memory_space<vmem_shared>>)
        tpu.yield
      }) : () -> ()
    } else {
    }
    %barrier3A = arith.constant 0 : index
    tpu.barrier barrier_id(%barrier3A)
    %mul3A = arith.constant 1 : i32
    %mul3A_2 = arith.muli %arg1, %mul3A : i32
    %add3A = arith.constant 0 : i32
    %add3A_3 = arith.addi %add3A, %mul3A_2 : i32
    %mul3A_4 = arith.constant 16 : i32
    %mul3A_5 = arith.muli %arg0, %mul3A_4 : i32
    %add3A_6 = arith.addi %add3A_3, %mul3A_5 : i32
    %lt3A = arith.constant 13 : i32
    %lt3A_7 = arith.cmpi slt, %add3A_6, %lt3A : i32
    %jit3A = arith.constant 25 : i32
    %jit3A_8 = arith.constant 24 : i32
    %select_n3A = arith.select %lt3A_7, %jit3A, %jit3A_8 : i32
    %lt3A_9 = arith.constant 13 : i32
    %lt3A_10 = arith.cmpi slt, %add3A_6, %lt3A_9 : i32
    %mul3A_11 = arith.muli %add3A_6, %select_n3A : i32
    %mul3A_12 = arith.constant 24 : i32
    %mul3A_13 = arith.muli %add3A_6, %mul3A_12 : i32
    %add3A_14 = arith.constant 13 : i32
    %add3A_15 = arith.addi %mul3A_13, %add3A_14 : i32
    %select_n3A_16 = arith.select %lt3A_10, %mul3A_11, %add3A_15 : i32
    %mul3A_17 = arith.constant 1 : i32
    %mul3A_18 = arith.muli %mul3A_17, %select_n3A : i32
    "tpu.region"() ({
      %run_scoped3A = memref.alloca() : memref<2x1x128xi32, #tpu.memory_space<vmem>>
      %run_scoped3A_27 = tpu.sem_alloc : memref<2x!tpu.dma_semaphore, #tpu.memory_space<semaphore_mem>>
      %run_scoped3A_28 = memref.alloca() : memref<2x128x128xf32, #tpu.memory_space<vmem>>
      %run_scoped3A_29 = tpu.sem_alloc : memref<2x!tpu.dma_semaphore, #tpu.memory_space<semaphore_mem>>
      %gt3A = arith.constant 0 : i32
      %gt3A_30 = arith.cmpi sgt, %mul3A_18, %gt3A : i32
      %convert_element_type3A_31 = arith.extui %gt3A_30 : i1 to i32
      %cond3A_32 = arith.constant 0 : i32
      %cond3A_33 = arith.cmpi ne, %convert_element_type3A_31, %cond3A_32 : i32
      scf.if %cond3A_33 {
        %mul3A_34 = arith.constant 1 : i32
        %mul3A_35 = arith.muli %mul3A_34, %select_n3A : i32
        %sub3A = arith.constant 1 : i32
        %sub3A_36 = arith.subi %mul3A_35, %sub3A : i32
        %eq3A_37 = arith.constant 0 : i32
        %eq3A_38 = arith.cmpi eq, %sub3A_36, %eq3A_37 : i32
        %add3A_39 = arith.constant 0 : i32
        %add3A_40 = arith.addi %add3A_39, %select_n3A_16 : i32
        %select_n3A_41 = arith.constant true
        %select_n3A_42 = arith.constant 0 : i32
        %select_n3A_43 = arith.constant -1 : i32
        %select_n3A_44 = arith.select %select_n3A_41, %select_n3A_43, %select_n3A_42 : i32
        %eq3A_45 = arith.constant -1 : i32
        %eq3A_46 = arith.cmpi eq, %select_n3A_44, %eq3A_45 : i32
        %sub3A_47 = arith.constant 1 : i32
        %sub3A_48 = arith.subi %select_n3A, %sub3A_47 : i32
        %select_n3A_49 = arith.select %eq3A_46, %sub3A_48, %select_n3A_44 : i32
        %add3A_50 = arith.addi %select_n3A_49, %select_n3A_16 : i32
        %select_n3A_51 = arith.constant true
        %select_n3A_52 = arith.constant 0 : i32
        %select_n3A_53 = arith.constant 1 : i32
        %select_n3A_54 = arith.select %select_n3A_51, %select_n3A_53, %select_n3A_52 : i32
        %eq3A_55 = arith.cmpi eq, %select_n3A_54, %select_n3A : i32
        %select_n3A_56 = arith.constant 0 : i32
        %select_n3A_57 = arith.select %eq3A_55, %select_n3A_56, %select_n3A_54 : i32
        %add3A_58 = arith.addi %select_n3A_57, %select_n3A_16 : i32
        %add3A_59 = arith.constant 1 : i32
        %add3A_60 = arith.addi %select_n3A_57, %add3A_59 : i32
        %select_n3A_61 = arith.constant true
        %select_n3A_62 = arith.select %select_n3A_61, %add3A_60, %select_n3A_57 : i32
        %eq3A_63 = arith.cmpi eq, %select_n3A_62, %select_n3A : i32
        %select_n3A_64 = arith.constant 0 : i32
        %select_n3A_65 = arith.select %eq3A_63, %select_n3A_64, %select_n3A_62 : i32
        %add3A_66 = arith.addi %select_n3A_65, %select_n3A_16 : i32
        "tpu.trace_start"() <{level = 10 : i32, message = "ep_initialize_0"}> : () -> ()
        %rem3A = arith.constant 0 : i32
        %rem3A_67 = arith.constant 2 : i32
        %rem3A_68 = arith.remui %rem3A, %rem3A_67 : i32
        %mul3A_69 = arith.constant 128 : i32
        %mul3A_70 = arith.muli %mul3A_69, %add3A_40 : i32
        %eq3A_71 = arith.constant 781 : i32
        %eq3A_72 = arith.cmpi eq, %add3A_40, %eq3A_71 : i32
        %jit3A_73 = arith.constant 128 : i32
        %jit3A_74 = arith.constant 128 : i32
        %select_n3A_75 = arith.select %eq3A_72, %jit3A_73, %jit3A_74 : i32
        %multiple_of3A = tpu.assume_multiple %select_n3A_75, 128 : i32
        %mul3A_76 = arith.constant 128 : i32
        %mul3A_77 = arith.muli %add3A_40, %mul3A_76 : i32
        %dma_start3A = arith.constant 0 : i32
        %dma_start3A_78 = arith.constant 0 : i32
        %dma_start3A_79 = tpu.memref_slice %run_scoped3A[%rem3A_68, %dma_start3A, %dma_start3A_78] <%multiple_of3A> : memref<2x1x128xi32, #tpu.memory_space<vmem>> -> memref<1x1x?xi32, #tpu.memory_space<vmem>>
        %dma_start3A_80 = tpu.memref_squeeze %dma_start3A_79 : memref<1x1x?xi32, #tpu.memory_space<vmem>> -> memref<1x?xi32, #tpu.memory_space<vmem>>
        %dma_start3A_81 = arith.constant 0 : i32
        %dma_start3A_82 = tpu.memref_slice %arg3[%dma_start3A_81, %mul3A_77] <%multiple_of3A> : memref<1x100000xi32, #tpu.memory_space<hbm>> -> memref<1x?xi32, #tpu.memory_space<hbm>>
        %dma_start3A_83 = tpu.memref_slice %run_scoped3A_27[%rem3A_68] : memref<2x!tpu.dma_semaphore, #tpu.memory_space<semaphore_mem>> -> memref<1x!tpu.dma_semaphore, #tpu.memory_space<semaphore_mem>>
        %dma_start3A_84 = tpu.memref_squeeze %dma_start3A_83 : memref<1x!tpu.dma_semaphore, #tpu.memory_space<semaphore_mem>> -> memref<!tpu.dma_semaphore, #tpu.memory_space<semaphore_mem>>
        %dma_start3A_85 = arith.constant 0 : i32
        %dma_start3A_86 = arith.constant 0 : i32
        %dma_start3A_87 = tpu.memref_slice %run_scoped3A[%rem3A_68, %dma_start3A_85, %dma_start3A_86] <%multiple_of3A> : memref<2x1x128xi32, #tpu.memory_space<vmem>> -> memref<1x1x?xi32, #tpu.memory_space<vmem>>
        %dma_start3A_88 = tpu.memref_squeeze %dma_start3A_87 : memref<1x1x?xi32, #tpu.memory_space<vmem>> -> memref<1x?xi32, #tpu.memory_space<vmem>>
        %dma_start3A_89 = arith.constant 0 : i32
        %dma_start3A_90 = tpu.memref_slice %arg3[%dma_start3A_89, %mul3A_77] <%multiple_of3A> : memref<1x100000xi32, #tpu.memory_space<hbm>> -> memref<1x?xi32, #tpu.memory_space<hbm>>
        tpu.enqueue_dma source(%dma_start3A_90 : memref<1x?xi32, #tpu.memory_space<hbm>>) target(%dma_start3A_88 : memref<1x?xi32, #tpu.memory_space<vmem>>) target_semaphore(%dma_start3A_84 : memref<!tpu.dma_semaphore, #tpu.memory_space<semaphore_mem>>)
        %add3A_91 = arith.constant 0 : i32
        %add3A_92 = arith.constant 1 : i32
        %add3A_93 = arith.addi %add3A_91, %add3A_92 : i32
        %select_n3A_94 = arith.constant true
        %select_n3A_95 = arith.constant 0 : i32
        %select_n3A_96 = arith.select %select_n3A_94, %add3A_93, %select_n3A_95 : i32
        %while3A = arith.constant 0 : i32
        %while3A_97 = arith.constant 0 : i32
        %while3A_98 = arith.constant 0 : i32
        %while3A_99 = arith.constant 0 : i32
        %while3A_100 = arith.constant 0 : i32
        "tpu.trace_stop"() : () -> ()
        %while3A_101 = arith.subi %mul3A_18, %while3A : i32
        %while3A_102 = arith.addi %while3A, %while3A_101 : i32
        %while3A_103 = arith.constant 1 : i32
        %while3A_104 = arith.divsi %while3A_101, %while3A_103 : i32
        %while3A_105 = arith.muli %while3A_104, %while3A_103 : i32
        %while3A_106 = arith.addi %while3A, %while3A_105 : i32
        %while3A_107 = arith.constant 1 : i32
        %while3A_108:5 = scf.for %while3A_162 = %while3A to %while3A_106 step %while3A_107 iter_args(%while3A_163 = %select_n3A_96, %while3A_164 = %while3A_97, %while3A_165 = %while3A_98, %while3A_166 = %while3A_99, %while3A_167 = %while3A_100) -> (i32, i32, i32, i32, i32)  : i32 {
          %mul3A_168 = arith.constant 1 : i32
          %mul3A_169 = arith.muli %mul3A_168, %select_n3A : i32
          %eq3A_170 = arith.constant 0 : i32
          %eq3A_171 = arith.cmpi eq, %while3A_162, %eq3A_170 : i32
          %sub3A_172 = arith.constant 1 : i32
          %sub3A_173 = arith.subi %mul3A_169, %sub3A_172 : i32
          %eq3A_174 = arith.cmpi eq, %while3A_162, %sub3A_173 : i32
          %add3A_175 = arith.addi %while3A_167, %select_n3A_16 : i32
          %sub3A_176 = arith.constant 1 : i32
          %sub3A_177 = arith.subi %while3A_167, %sub3A_176 : i32
          %select_n3A_178 = arith.constant true
          %select_n3A_179 = arith.select %select_n3A_178, %sub3A_177, %while3A_167 : i32
          %eq3A_180 = arith.constant -1 : i32
          %eq3A_181 = arith.cmpi eq, %select_n3A_179, %eq3A_180 : i32
          %sub3A_182 = arith.constant 1 : i32
          %sub3A_183 = arith.subi %select_n3A, %sub3A_182 : i32
          %select_n3A_184 = arith.select %eq3A_181, %sub3A_183, %select_n3A_179 : i32
          %add3A_185 = arith.addi %select_n3A_184, %select_n3A_16 : i32
          %add3A_186 = arith.constant 1 : i32
          %add3A_187 = arith.addi %while3A_167, %add3A_186 : i32
          %select_n3A_188 = arith.constant true
          %select_n3A_189 = arith.select %select_n3A_188, %add3A_187, %while3A_167 : i32
          %eq3A_190 = arith.cmpi eq, %select_n3A_189, %select_n3A : i32
          %select_n3A_191 = arith.constant 0 : i32
          %select_n3A_192 = arith.select %eq3A_190, %select_n3A_191, %select_n3A_189 : i32
          %add3A_193 = arith.addi %select_n3A_192, %select_n3A_16 : i32
          %add3A_194 = arith.constant 1 : i32
          %add3A_195 = arith.addi %select_n3A_192, %add3A_194 : i32
          %select_n3A_196 = arith.constant true
          %select_n3A_197 = arith.select %select_n3A_196, %add3A_195, %select_n3A_192 : i32
          %eq3A_198 = arith.cmpi eq, %select_n3A_197, %select_n3A : i32
          %select_n3A_199 = arith.constant 0 : i32
          %select_n3A_200 = arith.select %eq3A_198, %select_n3A_199, %select_n3A_197 : i32
          %add3A_201 = arith.addi %select_n3A_200, %select_n3A_16 : i32
          %ne3A = arith.cmpi ne, %add3A_175, %add3A_193 : i32
          %or3A = arith.constant false
          %or3A_202 = arith.ori %or3A, %ne3A : i1
          %sub3A_203 = arith.constant 2 : i32
          %sub3A_204 = arith.subi %mul3A_169, %sub3A_203 : i32
          %add3A_205 = arith.constant 1 : i32
          %add3A_206 = arith.addi %sub3A_204, %add3A_205 : i32
          %ge3A = arith.cmpi sge, %while3A_162, %add3A_206 : i32
          %not3A = arith.constant true
          %not3A_207 = arith.xori %ge3A, %not3A : i1
          %and3A = arith.andi %or3A_202, %not3A_207 : i1
          %convert_element_type3A_208 = arith.extui %and3A : i1 to i32
          %cond3A_209 = arith.constant 0 : i32
          %cond3A_210 = arith.cmpi ne, %convert_element_type3A_208, %cond3A_209 : i32
          scf.if %cond3A_210 {
            "tpu.trace_start"() <{level = 10 : i32, message = "ep_copy_in"}> : () -> ()
            %rem3A_314 = arith.constant 2 : i32
            %rem3A_315 = arith.remui %while3A_163, %rem3A_314 : i32
            %mul3A_316 = arith.constant 128 : i32
            %mul3A_317 = arith.muli %mul3A_316, %add3A_193 : i32
            %eq3A_318 = arith.constant 781 : i32
            %eq3A_319 = arith.cmpi eq, %add3A_193, %eq3A_318 : i32
            %jit3A_320 = arith.constant 128 : i32
            %jit3A_321 = arith.constant 128 : i32
            %select_n3A_322 = arith.select %eq3A_319, %jit3A_320, %jit3A_321 : i32
            %multiple_of3A_323 = tpu.assume_multiple %select_n3A_322, 128 : i32
            %mul3A_324 = arith.constant 128 : i32
            %mul3A_325 = arith.muli %add3A_193, %mul3A_324 : i32
            %dma_start3A_326 = arith.constant 0 : i32
            %dma_start3A_327 = arith.constant 0 : i32
            %dma_start3A_328 = tpu.memref_slice %run_scoped3A[%rem3A_315, %dma_start3A_326, %dma_start3A_327] <%multiple_of3A_323> : memref<2x1x128xi32, #tpu.memory_space<vmem>> -> memref<1x1x?xi32, #tpu.memory_space<vmem>>
            %dma_start3A_329 = tpu.memref_squeeze %dma_start3A_328 : memref<1x1x?xi32, #tpu.memory_space<vmem>> -> memref<1x?xi32, #tpu.memory_space<vmem>>
            %dma_start3A_330 = arith.constant 0 : i32
            %dma_start3A_331 = tpu.memref_slice %arg3[%dma_start3A_330, %mul3A_325] <%multiple_of3A_323> : memref<1x100000xi32, #tpu.memory_space<hbm>> -> memref<1x?xi32, #tpu.memory_space<hbm>>
            %dma_start3A_332 = tpu.memref_slice %run_scoped3A_27[%rem3A_315] : memref<2x!tpu.dma_semaphore, #tpu.memory_space<semaphore_mem>> -> memref<1x!tpu.dma_semaphore, #tpu.memory_space<semaphore_mem>>
            %dma_start3A_333 = tpu.memref_squeeze %dma_start3A_332 : memref<1x!tpu.dma_semaphore, #tpu.memory_space<semaphore_mem>> -> memref<!tpu.dma_semaphore, #tpu.memory_space<semaphore_mem>>
            %dma_start3A_334 = arith.constant 0 : i32
            %dma_start3A_335 = arith.constant 0 : i32
            %dma_start3A_336 = tpu.memref_slice %run_scoped3A[%rem3A_315, %dma_start3A_334, %dma_start3A_335] <%multiple_of3A_323> : memref<2x1x128xi32, #tpu.memory_space<vmem>> -> memref<1x1x?xi32, #tpu.memory_space<vmem>>
            %dma_start3A_337 = tpu.memref_squeeze %dma_start3A_336 : memref<1x1x?xi32, #tpu.memory_space<vmem>> -> memref<1x?xi32, #tpu.memory_space<vmem>>
            %dma_start3A_338 = arith.constant 0 : i32
            %dma_start3A_339 = tpu.memref_slice %arg3[%dma_start3A_338, %mul3A_325] <%multiple_of3A_323> : memref<1x100000xi32, #tpu.memory_space<hbm>> -> memref<1x?xi32, #tpu.memory_space<hbm>>
            tpu.enqueue_dma source(%dma_start3A_339 : memref<1x?xi32, #tpu.memory_space<hbm>>) target(%dma_start3A_337 : memref<1x?xi32, #tpu.memory_space<vmem>>) target_semaphore(%dma_start3A_333 : memref<!tpu.dma_semaphore, #tpu.memory_space<semaphore_mem>>)
            "tpu.trace_stop"() : () -> ()
          } else {
          }
          %and3A_211 = arith.constant true
          %and3A_212 = arith.andi %and3A, %and3A_211 : i1
          %add3A_213 = arith.constant 1 : i32
          %add3A_214 = arith.addi %while3A_163, %add3A_213 : i32
          %select_n3A_215 = arith.select %and3A_212, %add3A_214, %while3A_163 : i32
          %ne3A_216 = arith.cmpi ne, %add3A_175, %add3A_193 : i32
          %or3A_217 = arith.constant false
          %or3A_218 = arith.ori %or3A_217, %ne3A_216 : i1
          %or3A_219 = arith.constant false
          %or3A_220 = arith.ori %or3A_218, %or3A_219 : i1
          %sub3A_221 = arith.constant 2 : i32
          %sub3A_222 = arith.subi %mul3A_169, %sub3A_221 : i32
          %add3A_223 = arith.constant 1 : i32
          %add3A_224 = arith.addi %sub3A_222, %add3A_223 : i32
          %ge3A_225 = arith.cmpi sge, %while3A_162, %add3A_224 : i32
          %not3A_226 = arith.constant true
          %not3A_227 = arith.xori %ge3A_225, %not3A_226 : i1
          %and3A_228 = arith.andi %or3A_220, %not3A_227 : i1
          %ne3A_229 = arith.cmpi ne, %add3A_175, %add3A_185 : i32
          %or3A_230 = arith.constant false
          %or3A_231 = arith.ori %or3A_230, %ne3A_229 : i1
          %or3A_232 = arith.ori %or3A_231, %eq3A_171 : i1
          %convert_element_type3A_233 = arith.extui %or3A_232 : i1 to i32
          %cond3A_234 = arith.constant 0 : i32
          %cond3A_235 = arith.cmpi ne, %convert_element_type3A_233, %cond3A_234 : i32
          scf.if %cond3A_235 {
            "tpu.trace_start"() <{level = 10 : i32, message = "ep_wait_in"}> : () -> ()
            %mul3A_314 = arith.constant 128 : i32
            %mul3A_315 = arith.muli %mul3A_314, %add3A_175 : i32
            %eq3A_316 = arith.constant 781 : i32
            %eq3A_317 = arith.cmpi eq, %add3A_175, %eq3A_316 : i32
            %jit3A_318 = arith.constant 128 : i32
            %jit3A_319 = arith.constant 128 : i32
            %select_n3A_320 = arith.select %eq3A_317, %jit3A_318, %jit3A_319 : i32
            %multiple_of3A_321 = tpu.assume_multiple %select_n3A_320, 128 : i32
            %mul3A_322 = arith.constant 128 : i32
            %mul3A_323 = arith.muli %add3A_175, %mul3A_322 : i32
            %rem3A_324 = arith.constant 2 : i32
            %rem3A_325 = arith.remui %while3A_164, %rem3A_324 : i32
            %dma_wait3A = arith.constant 0 : i32
            %dma_wait3A_326 = arith.constant 0 : i32
            %dma_wait3A_327 = tpu.memref_slice %run_scoped3A[%rem3A_325, %dma_wait3A, %dma_wait3A_326] <%multiple_of3A_321> : memref<2x1x128xi32, #tpu.memory_space<vmem>> -> memref<1x1x?xi32, #tpu.memory_space<vmem>>
            %dma_wait3A_328 = tpu.memref_squeeze %dma_wait3A_327 : memref<1x1x?xi32, #tpu.memory_space<vmem>> -> memref<1x?xi32, #tpu.memory_space<vmem>>
            %dma_wait3A_329 = arith.constant 0 : i32
            %dma_wait3A_330 = tpu.memref_slice %arg3[%dma_wait3A_329, %mul3A_323] <%multiple_of3A_321> : memref<1x100000xi32, #tpu.memory_space<hbm>> -> memref<1x?xi32, #tpu.memory_space<hbm>>
            %dma_wait3A_331 = tpu.memref_slice %run_scoped3A_27[%rem3A_325] : memref<2x!tpu.dma_semaphore, #tpu.memory_space<semaphore_mem>> -> memref<1x!tpu.dma_semaphore, #tpu.memory_space<semaphore_mem>>
            %dma_wait3A_332 = tpu.memref_squeeze %dma_wait3A_331 : memref<1x!tpu.dma_semaphore, #tpu.memory_space<semaphore_mem>> -> memref<!tpu.dma_semaphore, #tpu.memory_space<semaphore_mem>>
            %dma_wait3A_333 = arith.constant 0 : i32
            %dma_wait3A_334 = arith.constant 0 : i32
            %dma_wait3A_335 = tpu.memref_slice %run_scoped3A[%rem3A_325, %dma_wait3A_333, %dma_wait3A_334] <%multiple_of3A_321> : memref<2x1x128xi32, #tpu.memory_space<vmem>> -> memref<1x1x?xi32, #tpu.memory_space<vmem>>
            %dma_wait3A_336 = tpu.memref_squeeze %dma_wait3A_335 : memref<1x1x?xi32, #tpu.memory_space<vmem>> -> memref<1x?xi32, #tpu.memory_space<vmem>>
            %dma_wait3A_337 = arith.constant 0 : i32
            %dma_wait3A_338 = tpu.memref_slice %arg3[%dma_wait3A_337, %mul3A_323] <%multiple_of3A_321> : memref<1x100000xi32, #tpu.memory_space<hbm>> -> memref<1x?xi32, #tpu.memory_space<hbm>>
            tpu.wait_dma2 semaphore(%dma_wait3A_332 : memref<!tpu.dma_semaphore, #tpu.memory_space<semaphore_mem>>) src(%dma_wait3A_338 : memref<1x?xi32, #tpu.memory_space<hbm>>) dst(%dma_wait3A_336 : memref<1x?xi32, #tpu.memory_space<vmem>>)
            "tpu.trace_stop"() : () -> ()
          } else {
          }
          %ne3A_236 = arith.cmpi ne, %add3A_175, %add3A_185 : i32
          %or3A_237 = arith.constant false
          %or3A_238 = arith.ori %or3A_237, %ne3A_236 : i1
          %or3A_239 = arith.constant false
          %or3A_240 = arith.ori %or3A_238, %or3A_239 : i1
          %or3A_241 = arith.ori %or3A_240, %eq3A_171 : i1
          %convert_element_type3A_242 = arith.extui %or3A_241 : i1 to i32
          %cond3A_243 = arith.constant 0 : i32
          %cond3A_244 = arith.cmpi ne, %convert_element_type3A_242, %cond3A_243 : i32
          scf.if %cond3A_244 {
          } else {
          }
          %rem3A_245 = arith.constant 2 : i32
          %rem3A_246 = arith.remui %while3A_164, %rem3A_245 : i32
          %rem3A_247 = arith.constant 2 : i32
          %rem3A_248 = arith.remui %while3A_165, %rem3A_247 : i32
          %run_scoped3A_249 = arith.constant 0 : i32
          "tpu.trace_start"() <{level = 10 : i32, message = "ep_run_kernel"}> : () -> ()
          "tpu.region"() ({
            %run_scoped3A_314 = tpu.sem_alloc : memref<!tpu.dma_semaphore, #tpu.memory_space<semaphore_mem>>
            %dma_start3A_315 = arith.constant 0 : i32
            %dma_start3A_316 = arith.constant 0 : i32
            %dma_start3A_317 = tpu.memref_slice %run_scoped3A_28[%rem3A_248, %dma_start3A_315, %dma_start3A_316] : memref<2x128x128xf32, #tpu.memory_space<vmem>> -> memref<1x128x128xf32, #tpu.memory_space<vmem>>
            %dma_start3A_318 = tpu.memref_squeeze %dma_start3A_317 : memref<1x128x128xf32, #tpu.memory_space<vmem>> -> memref<128x128xf32, #tpu.memory_space<vmem>>
            %dma_start3A_319 = arith.constant 0 : i32
            %dma_start3A_320 = arith.constant 0 : i32
            %dma_start3A_321 = tpu.memref_slice %run_scoped3A[%rem3A_246, %dma_start3A_319, %dma_start3A_320] : memref<2x1x128xi32, #tpu.memory_space<vmem>> -> memref<1x1x128xi32, #tpu.memory_space<vmem>>
            %dma_start3A_322 = tpu.memref_squeeze %dma_start3A_321 : memref<1x1x128xi32, #tpu.memory_space<vmem>> -> memref<1x128xi32, #tpu.memory_space<vmem>>
            %dma_start3A_323 = arith.constant 0 : i32
            %dma_start3A_324 = tpu.memref_slice %dma_start3A_322[%run_scoped3A_249, %dma_start3A_323] : memref<1x128xi32, #tpu.memory_space<vmem>> -> memref<1x128xi32, #tpu.memory_space<vmem>>
            %dma_start3A_325 = tpu.memref_squeeze %dma_start3A_324 : memref<1x128xi32, #tpu.memory_space<vmem>> -> memref<128xi32, #tpu.memory_space<vmem>>
            %dma_start3A_326 = arith.constant 0 : i32
            %dma_start3A_327 = arith.constant 0 : i32
            %dma_start3A_328 = tpu.memref_slice %arg5[%dma_start3A_326, %dma_start3A_327] : memref<96x128xf32, #tpu.memory_space<vmem_shared>> -> memref<96x128xf32, #tpu.memory_space<vmem_shared>>
            tpu.enqueue_indirect_dma source(%dma_start3A_328 : memref<96x128xf32, #tpu.memory_space<vmem_shared>>) target(%dma_start3A_318 : memref<128x128xf32, #tpu.memory_space<vmem>>) offsets(%dma_start3A_325 : memref<128xi32, #tpu.memory_space<vmem>>) semaphore(%run_scoped3A_314 : memref<!tpu.dma_semaphore, #tpu.memory_space<semaphore_mem>>)
            %dma_wait3A = arith.constant 0 : i32
            %dma_wait3A_329 = arith.constant 0 : i32
            %dma_wait3A_330 = tpu.memref_slice %run_scoped3A_28[%rem3A_248, %dma_wait3A, %dma_wait3A_329] : memref<2x128x128xf32, #tpu.memory_space<vmem>> -> memref<1x128x128xf32, #tpu.memory_space<vmem>>
            %dma_wait3A_331 = tpu.memref_squeeze %dma_wait3A_330 : memref<1x128x128xf32, #tpu.memory_space<vmem>> -> memref<128x128xf32, #tpu.memory_space<vmem>>
            %dma_wait3A_332 = arith.constant 0 : i32
            %dma_wait3A_333 = arith.constant 0 : i32
            %dma_wait3A_334 = tpu.memref_slice %run_scoped3A[%rem3A_246, %dma_wait3A_332, %dma_wait3A_333] : memref<2x1x128xi32, #tpu.memory_space<vmem>> -> memref<1x1x128xi32, #tpu.memory_space<vmem>>
            %dma_wait3A_335 = tpu.memref_squeeze %dma_wait3A_334 : memref<1x1x128xi32, #tpu.memory_space<vmem>> -> memref<1x128xi32, #tpu.memory_space<vmem>>
            %dma_wait3A_336 = arith.constant 0 : i32
            %dma_wait3A_337 = tpu.memref_slice %dma_wait3A_335[%run_scoped3A_249, %dma_wait3A_336] : memref<1x128xi32, #tpu.memory_space<vmem>> -> memref<1x128xi32, #tpu.memory_space<vmem>>
            %dma_wait3A_338 = tpu.memref_squeeze %dma_wait3A_337 : memref<1x128xi32, #tpu.memory_space<vmem>> -> memref<128xi32, #tpu.memory_space<vmem>>
            %dma_wait3A_339 = arith.constant 0 : i32
            %dma_wait3A_340 = arith.constant 0 : i32
            %dma_wait3A_341 = tpu.memref_slice %arg5[%dma_wait3A_339, %dma_wait3A_340] : memref<96x128xf32, #tpu.memory_space<vmem_shared>> -> memref<96x128xf32, #tpu.memory_space<vmem_shared>>
            tpu.wait_indirect_dma semaphore(%run_scoped3A_314 : memref<!tpu.dma_semaphore, #tpu.memory_space<semaphore_mem>>) src(%dma_wait3A_341 : memref<96x128xf32, #tpu.memory_space<vmem_shared>>) dst(%dma_wait3A_331 : memref<128x128xf32, #tpu.memory_space<vmem>>)
            tpu.yield
          }) : () -> ()
          "tpu.trace_stop"() : () -> ()
          %ne3A_250 = arith.cmpi ne, %add3A_175, %add3A_193 : i32
          %or3A_251 = arith.constant false
          %or3A_252 = arith.ori %or3A_251, %ne3A_250 : i1
          %or3A_253 = arith.ori %or3A_252, %eq3A_174 : i1
          %convert_element_type3A_254 = arith.extui %or3A_253 : i1 to i32
          %cond3A_255 = arith.constant 0 : i32
          %cond3A_256 = arith.cmpi ne, %convert_element_type3A_254, %cond3A_255 : i32
          scf.if %cond3A_256 {
          } else {
          }
          %and3A_257 = arith.constant false
          %and3A_258 = arith.andi %or3A_253, %and3A_257 : i1
          %ne3A_259 = arith.cmpi ne, %add3A_175, %add3A_193 : i32
          %or3A_260 = arith.constant false
          %or3A_261 = arith.ori %or3A_260, %ne3A_259 : i1
          %or3A_262 = arith.constant false
          %or3A_263 = arith.ori %or3A_261, %or3A_262 : i1
          %or3A_264 = arith.ori %or3A_263, %eq3A_174 : i1
          %convert_element_type3A_265 = arith.extui %or3A_264 : i1 to i32
          %cond3A_266 = arith.constant 0 : i32
          %cond3A_267 = arith.cmpi ne, %convert_element_type3A_265, %cond3A_266 : i32
          scf.if %cond3A_267 {
            "tpu.trace_start"() <{level = 10 : i32, message = "ep_copy_out"}> : () -> ()
            %rem3A_314 = arith.constant 2 : i32
            %rem3A_315 = arith.remui %while3A_165, %rem3A_314 : i32
            %mul3A_316 = arith.constant 128 : i32
            %mul3A_317 = arith.muli %mul3A_316, %add3A_175 : i32
            %eq3A_318 = arith.constant 781 : i32
            %eq3A_319 = arith.cmpi eq, %add3A_175, %eq3A_318 : i32
            %jit3A_320 = arith.constant 32 : i32
            %jit3A_321 = arith.constant 128 : i32
            %select_n3A_322 = arith.select %eq3A_319, %jit3A_320, %jit3A_321 : i32
            %multiple_of3A_323 = tpu.assume_multiple %select_n3A_322, 8 : i32
            %mul3A_324 = arith.constant 128 : i32
            %mul3A_325 = arith.muli %add3A_175, %mul3A_324 : i32
            %dma_start3A_326 = arith.constant 0 : i32
            %dma_start3A_327 = arith.constant 0 : i32
            %dma_start3A_328 = tpu.memref_slice %run_scoped3A_28[%rem3A_315, %dma_start3A_326, %dma_start3A_327] <%multiple_of3A_323> : memref<2x128x128xf32, #tpu.memory_space<vmem>> -> memref<1x?x128xf32, #tpu.memory_space<vmem>>
            %dma_start3A_329 = tpu.memref_squeeze %dma_start3A_328 : memref<1x?x128xf32, #tpu.memory_space<vmem>> -> memref<?x128xf32, #tpu.memory_space<vmem>>
            %dma_start3A_330 = arith.constant 0 : i32
            %dma_start3A_331 = tpu.memref_slice %arg4[%mul3A_325, %dma_start3A_330] <%multiple_of3A_323> : memref<100000x128xf32, #tpu.memory_space<hbm>> -> memref<?x128xf32, #tpu.memory_space<hbm>>
            %dma_start3A_332 = tpu.memref_slice %run_scoped3A_29[%rem3A_315] : memref<2x!tpu.dma_semaphore, #tpu.memory_space<semaphore_mem>> -> memref<1x!tpu.dma_semaphore, #tpu.memory_space<semaphore_mem>>
            %dma_start3A_333 = tpu.memref_squeeze %dma_start3A_332 : memref<1x!tpu.dma_semaphore, #tpu.memory_space<semaphore_mem>> -> memref<!tpu.dma_semaphore, #tpu.memory_space<semaphore_mem>>
            %dma_start3A_334 = arith.constant 0 : i32
            %dma_start3A_335 = tpu.memref_slice %arg4[%mul3A_325, %dma_start3A_334] <%multiple_of3A_323> : memref<100000x128xf32, #tpu.memory_space<hbm>> -> memref<?x128xf32, #tpu.memory_space<hbm>>
            %dma_start3A_336 = arith.constant 0 : i32
            %dma_start3A_337 = arith.constant 0 : i32
            %dma_start3A_338 = tpu.memref_slice %run_scoped3A_28[%rem3A_315, %dma_start3A_336, %dma_start3A_337] <%multiple_of3A_323> : memref<2x128x128xf32, #tpu.memory_space<vmem>> -> memref<1x?x128xf32, #tpu.memory_space<vmem>>
            %dma_start3A_339 = tpu.memref_squeeze %dma_start3A_338 : memref<1x?x128xf32, #tpu.memory_space<vmem>> -> memref<?x128xf32, #tpu.memory_space<vmem>>
            tpu.enqueue_dma source(%dma_start3A_339 : memref<?x128xf32, #tpu.memory_space<vmem>>) target(%dma_start3A_335 : memref<?x128xf32, #tpu.memory_space<hbm>>) target_semaphore(%dma_start3A_333 : memref<!tpu.dma_semaphore, #tpu.memory_space<semaphore_mem>>)
            "tpu.trace_stop"() : () -> ()
          } else {
          }
          %and3A_268 = arith.constant true
          %and3A_269 = arith.andi %or3A_264, %and3A_268 : i1
          %add3A_270 = arith.constant 1 : i32
          %add3A_271 = arith.addi %while3A_165, %add3A_270 : i32
          %select_n3A_272 = arith.select %and3A_269, %add3A_271, %while3A_165 : i32
          %ne3A_273 = arith.cmpi ne, %add3A_175, %add3A_185 : i32
          %or3A_274 = arith.constant false
          %or3A_275 = arith.ori %or3A_274, %ne3A_273 : i1
          %not3A_276 = arith.constant true
          %not3A_277 = arith.xori %eq3A_171, %not3A_276 : i1
          %and3A_278 = arith.andi %or3A_275, %not3A_277 : i1
          %convert_element_type3A_279 = arith.extui %and3A_278 : i1 to i32
          %cond3A_280 = arith.constant 0 : i32
          %cond3A_281 = arith.cmpi ne, %convert_element_type3A_279, %cond3A_280 : i32
          scf.if %cond3A_281 {
          } else {
          }
          %and3A_282 = arith.constant false
          %and3A_283 = arith.andi %and3A_278, %and3A_282 : i1
          %ne3A_284 = arith.cmpi ne, %add3A_175, %add3A_185 : i32
          %or3A_285 = arith.constant false
          %or3A_286 = arith.ori %or3A_285, %ne3A_284 : i1
          %or3A_287 = arith.constant false
          %or3A_288 = arith.ori %or3A_286, %or3A_287 : i1
          %not3A_289 = arith.constant true
          %not3A_290 = arith.xori %eq3A_171, %not3A_289 : i1
          %and3A_291 = arith.andi %or3A_288, %not3A_290 : i1
          %convert_element_type3A_292 = arith.extui %and3A_291 : i1 to i32
          %cond3A_293 = arith.constant 0 : i32
          %cond3A_294 = arith.cmpi ne, %convert_element_type3A_292, %cond3A_293 : i32
          scf.if %cond3A_294 {
            "tpu.trace_start"() <{level = 10 : i32, message = "ep_wait_out"}> : () -> ()
            %rem3A_314 = arith.constant 2 : i32
            %rem3A_315 = arith.remui %while3A_166, %rem3A_314 : i32
            %mul3A_316 = arith.constant 128 : i32
            %mul3A_317 = arith.muli %mul3A_316, %add3A_185 : i32
            %eq3A_318 = arith.constant 781 : i32
            %eq3A_319 = arith.cmpi eq, %add3A_185, %eq3A_318 : i32
            %jit3A_320 = arith.constant 32 : i32
            %jit3A_321 = arith.constant 128 : i32
            %select_n3A_322 = arith.select %eq3A_319, %jit3A_320, %jit3A_321 : i32
            %multiple_of3A_323 = tpu.assume_multiple %select_n3A_322, 8 : i32
            %mul3A_324 = arith.constant 128 : i32
            %mul3A_325 = arith.muli %add3A_185, %mul3A_324 : i32
            %dma_wait3A = arith.constant 0 : i32
            %dma_wait3A_326 = arith.constant 0 : i32
            %dma_wait3A_327 = tpu.memref_slice %run_scoped3A_28[%rem3A_315, %dma_wait3A, %dma_wait3A_326] <%multiple_of3A_323> : memref<2x128x128xf32, #tpu.memory_space<vmem>> -> memref<1x?x128xf32, #tpu.memory_space<vmem>>
            %dma_wait3A_328 = tpu.memref_squeeze %dma_wait3A_327 : memref<1x?x128xf32, #tpu.memory_space<vmem>> -> memref<?x128xf32, #tpu.memory_space<vmem>>
            %dma_wait3A_329 = arith.constant 0 : i32
            %dma_wait3A_330 = tpu.memref_slice %arg4[%mul3A_325, %dma_wait3A_329] <%multiple_of3A_323> : memref<100000x128xf32, #tpu.memory_space<hbm>> -> memref<?x128xf32, #tpu.memory_space<hbm>>
            %dma_wait3A_331 = tpu.memref_slice %run_scoped3A_29[%rem3A_315] : memref<2x!tpu.dma_semaphore, #tpu.memory_space<semaphore_mem>> -> memref<1x!tpu.dma_semaphore, #tpu.memory_space<semaphore_mem>>
            %dma_wait3A_332 = tpu.memref_squeeze %dma_wait3A_331 : memref<1x!tpu.dma_semaphore, #tpu.memory_space<semaphore_mem>> -> memref<!tpu.dma_semaphore, #tpu.memory_space<semaphore_mem>>
            %dma_wait3A_333 = arith.constant 0 : i32
            %dma_wait3A_334 = tpu.memref_slice %arg4[%mul3A_325, %dma_wait3A_333] <%multiple_of3A_323> : memref<100000x128xf32, #tpu.memory_space<hbm>> -> memref<?x128xf32, #tpu.memory_space<hbm>>
            %dma_wait3A_335 = arith.constant 0 : i32
            %dma_wait3A_336 = arith.constant 0 : i32
            %dma_wait3A_337 = tpu.memref_slice %run_scoped3A_28[%rem3A_315, %dma_wait3A_335, %dma_wait3A_336] <%multiple_of3A_323> : memref<2x128x128xf32, #tpu.memory_space<vmem>> -> memref<1x?x128xf32, #tpu.memory_space<vmem>>
            %dma_wait3A_338 = tpu.memref_squeeze %dma_wait3A_337 : memref<1x?x128xf32, #tpu.memory_space<vmem>> -> memref<?x128xf32, #tpu.memory_space<vmem>>
            tpu.wait_dma2 semaphore(%dma_wait3A_332 : memref<!tpu.dma_semaphore, #tpu.memory_space<semaphore_mem>>) src(%dma_wait3A_338 : memref<?x128xf32, #tpu.memory_space<vmem>>) dst(%dma_wait3A_334 : memref<?x128xf32, #tpu.memory_space<hbm>>)
            "tpu.trace_stop"() : () -> ()
          } else {
          }
          %and3A_295 = arith.constant true
          %and3A_296 = arith.andi %and3A_291, %and3A_295 : i1
          %add3A_297 = arith.constant 1 : i32
          %add3A_298 = arith.addi %while3A_166, %add3A_297 : i32
          %select_n3A_299 = arith.select %and3A_296, %add3A_298, %while3A_166 : i32
          %ne3A_300 = arith.cmpi ne, %add3A_175, %add3A_193 : i32
          %or3A_301 = arith.constant false
          %or3A_302 = arith.ori %or3A_301, %ne3A_300 : i1
          %or3A_303 = arith.ori %or3A_302, %eq3A_174 : i1
          %add3A_304 = arith.constant 1 : i32
          %add3A_305 = arith.addi %while3A_164, %add3A_304 : i32
          %select_n3A_306 = arith.select %or3A_303, %add3A_305, %while3A_164 : i32
          %add3A_307 = arith.constant 1 : i32
          %add3A_308 = arith.addi %while3A_167, %add3A_307 : i32
          %select_n3A_309 = arith.constant true
          %select_n3A_310 = arith.select %select_n3A_309, %add3A_308, %while3A_167 : i32
          %eq3A_311 = arith.cmpi eq, %select_n3A_310, %select_n3A : i32
          %select_n3A_312 = arith.constant 0 : i32
          %select_n3A_313 = arith.select %eq3A_311, %select_n3A_312, %select_n3A_310 : i32
          scf.yield %select_n3A_215, %select_n3A_306, %select_n3A_272, %select_n3A_299, %select_n3A_313 : i32, i32, i32, i32, i32
        }
        %while3A_109 = arith.constant 1 : i32
        %while3A_110:5 = scf.for %while3A_162 = %while3A_106 to %while3A_102 step %while3A_109 iter_args(%while3A_163 = %while3A_108#0, %while3A_164 = %while3A_108#1, %while3A_165 = %while3A_108#2, %while3A_166 = %while3A_108#3, %while3A_167 = %while3A_108#4) -> (i32, i32, i32, i32, i32)  : i32 {
          %mul3A_168 = arith.constant 1 : i32
          %mul3A_169 = arith.muli %mul3A_168, %select_n3A : i32
          %eq3A_170 = arith.constant 0 : i32
          %eq3A_171 = arith.cmpi eq, %while3A_162, %eq3A_170 : i32
          %sub3A_172 = arith.constant 1 : i32
          %sub3A_173 = arith.subi %mul3A_169, %sub3A_172 : i32
          %eq3A_174 = arith.cmpi eq, %while3A_162, %sub3A_173 : i32
          %add3A_175 = arith.addi %while3A_167, %select_n3A_16 : i32
          %sub3A_176 = arith.constant 1 : i32
          %sub3A_177 = arith.subi %while3A_167, %sub3A_176 : i32
          %select_n3A_178 = arith.constant true
          %select_n3A_179 = arith.select %select_n3A_178, %sub3A_177, %while3A_167 : i32
          %eq3A_180 = arith.constant -1 : i32
          %eq3A_181 = arith.cmpi eq, %select_n3A_179, %eq3A_180 : i32
          %sub3A_182 = arith.constant 1 : i32
          %sub3A_183 = arith.subi %select_n3A, %sub3A_182 : i32
          %select_n3A_184 = arith.select %eq3A_181, %sub3A_183, %select_n3A_179 : i32
          %add3A_185 = arith.addi %select_n3A_184, %select_n3A_16 : i32
          %add3A_186 = arith.constant 1 : i32
          %add3A_187 = arith.addi %while3A_167, %add3A_186 : i32
          %select_n3A_188 = arith.constant true
          %select_n3A_189 = arith.select %select_n3A_188, %add3A_187, %while3A_167 : i32
          %eq3A_190 = arith.cmpi eq, %select_n3A_189, %select_n3A : i32
          %select_n3A_191 = arith.constant 0 : i32
          %select_n3A_192 = arith.select %eq3A_190, %select_n3A_191, %select_n3A_189 : i32
          %add3A_193 = arith.addi %select_n3A_192, %select_n3A_16 : i32
          %add3A_194 = arith.constant 1 : i32
          %add3A_195 = arith.addi %select_n3A_192, %add3A_194 : i32
          %select_n3A_196 = arith.constant true
          %select_n3A_197 = arith.select %select_n3A_196, %add3A_195, %select_n3A_192 : i32
          %eq3A_198 = arith.cmpi eq, %select_n3A_197, %select_n3A : i32
          %select_n3A_199 = arith.constant 0 : i32
          %select_n3A_200 = arith.select %eq3A_198, %select_n3A_199, %select_n3A_197 : i32
          %add3A_201 = arith.addi %select_n3A_200, %select_n3A_16 : i32
          %ne3A = arith.cmpi ne, %add3A_175, %add3A_193 : i32
          %or3A = arith.constant false
          %or3A_202 = arith.ori %or3A, %ne3A : i1
          %sub3A_203 = arith.constant 2 : i32
          %sub3A_204 = arith.subi %mul3A_169, %sub3A_203 : i32
          %add3A_205 = arith.constant 1 : i32
          %add3A_206 = arith.addi %sub3A_204, %add3A_205 : i32
          %ge3A = arith.cmpi sge, %while3A_162, %add3A_206 : i32
          %not3A = arith.constant true
          %not3A_207 = arith.xori %ge3A, %not3A : i1
          %and3A = arith.andi %or3A_202, %not3A_207 : i1
          %convert_element_type3A_208 = arith.extui %and3A : i1 to i32
          %cond3A_209 = arith.constant 0 : i32
          %cond3A_210 = arith.cmpi ne, %convert_element_type3A_208, %cond3A_209 : i32
          scf.if %cond3A_210 {
            "tpu.trace_start"() <{level = 10 : i32, message = "ep_copy_in"}> : () -> ()
            %rem3A_314 = arith.constant 2 : i32
            %rem3A_315 = arith.remui %while3A_163, %rem3A_314 : i32
            %mul3A_316 = arith.constant 128 : i32
            %mul3A_317 = arith.muli %mul3A_316, %add3A_193 : i32
            %eq3A_318 = arith.constant 781 : i32
            %eq3A_319 = arith.cmpi eq, %add3A_193, %eq3A_318 : i32
            %jit3A_320 = arith.constant 128 : i32
            %jit3A_321 = arith.constant 128 : i32
            %select_n3A_322 = arith.select %eq3A_319, %jit3A_320, %jit3A_321 : i32
            %multiple_of3A_323 = tpu.assume_multiple %select_n3A_322, 128 : i32
            %mul3A_324 = arith.constant 128 : i32
            %mul3A_325 = arith.muli %add3A_193, %mul3A_324 : i32
            %dma_start3A_326 = arith.constant 0 : i32
            %dma_start3A_327 = arith.constant 0 : i32
            %dma_start3A_328 = tpu.memref_slice %run_scoped3A[%rem3A_315, %dma_start3A_326, %dma_start3A_327] <%multiple_of3A_323> : memref<2x1x128xi32, #tpu.memory_space<vmem>> -> memref<1x1x?xi32, #tpu.memory_space<vmem>>
            %dma_start3A_329 = tpu.memref_squeeze %dma_start3A_328 : memref<1x1x?xi32, #tpu.memory_space<vmem>> -> memref<1x?xi32, #tpu.memory_space<vmem>>
            %dma_start3A_330 = arith.constant 0 : i32
            %dma_start3A_331 = tpu.memref_slice %arg3[%dma_start3A_330, %mul3A_325] <%multiple_of3A_323> : memref<1x100000xi32, #tpu.memory_space<hbm>> -> memref<1x?xi32, #tpu.memory_space<hbm>>
            %dma_start3A_332 = tpu.memref_slice %run_scoped3A_27[%rem3A_315] : memref<2x!tpu.dma_semaphore, #tpu.memory_space<semaphore_mem>> -> memref<1x!tpu.dma_semaphore, #tpu.memory_space<semaphore_mem>>
            %dma_start3A_333 = tpu.memref_squeeze %dma_start3A_332 : memref<1x!tpu.dma_semaphore, #tpu.memory_space<semaphore_mem>> -> memref<!tpu.dma_semaphore, #tpu.memory_space<semaphore_mem>>
            %dma_start3A_334 = arith.constant 0 : i32
            %dma_start3A_335 = arith.constant 0 : i32
            %dma_start3A_336 = tpu.memref_slice %run_scoped3A[%rem3A_315, %dma_start3A_334, %dma_start3A_335] <%multiple_of3A_323> : memref<2x1x128xi32, #tpu.memory_space<vmem>> -> memref<1x1x?xi32, #tpu.memory_space<vmem>>
            %dma_start3A_337 = tpu.memref_squeeze %dma_start3A_336 : memref<1x1x?xi32, #tpu.memory_space<vmem>> -> memref<1x?xi32, #tpu.memory_space<vmem>>
            %dma_start3A_338 = arith.constant 0 : i32
            %dma_start3A_339 = tpu.memref_slice %arg3[%dma_start3A_338, %mul3A_325] <%multiple_of3A_323> : memref<1x100000xi32, #tpu.memory_space<hbm>> -> memref<1x?xi32, #tpu.memory_space<hbm>>
            tpu.enqueue_dma source(%dma_start3A_339 : memref<1x?xi32, #tpu.memory_space<hbm>>) target(%dma_start3A_337 : memref<1x?xi32, #tpu.memory_space<vmem>>) target_semaphore(%dma_start3A_333 : memref<!tpu.dma_semaphore, #tpu.memory_space<semaphore_mem>>)
            "tpu.trace_stop"() : () -> ()
          } else {
          }
          %and3A_211 = arith.constant true
          %and3A_212 = arith.andi %and3A, %and3A_211 : i1
          %add3A_213 = arith.constant 1 : i32
          %add3A_214 = arith.addi %while3A_163, %add3A_213 : i32
          %select_n3A_215 = arith.select %and3A_212, %add3A_214, %while3A_163 : i32
          %ne3A_216 = arith.cmpi ne, %add3A_175, %add3A_193 : i32
          %or3A_217 = arith.constant false
          %or3A_218 = arith.ori %or3A_217, %ne3A_216 : i1
          %or3A_219 = arith.constant false
          %or3A_220 = arith.ori %or3A_218, %or3A_219 : i1
          %sub3A_221 = arith.constant 2 : i32
          %sub3A_222 = arith.subi %mul3A_169, %sub3A_221 : i32
          %add3A_223 = arith.constant 1 : i32
          %add3A_224 = arith.addi %sub3A_222, %add3A_223 : i32
          %ge3A_225 = arith.cmpi sge, %while3A_162, %add3A_224 : i32
          %not3A_226 = arith.constant true
          %not3A_227 = arith.xori %ge3A_225, %not3A_226 : i1
          %and3A_228 = arith.andi %or3A_220, %not3A_227 : i1
          %ne3A_229 = arith.cmpi ne, %add3A_175, %add3A_185 : i32
          %or3A_230 = arith.constant false
          %or3A_231 = arith.ori %or3A_230, %ne3A_229 : i1
          %or3A_232 = arith.ori %or3A_231, %eq3A_171 : i1
          %convert_element_type3A_233 = arith.extui %or3A_232 : i1 to i32
          %cond3A_234 = arith.constant 0 : i32
          %cond3A_235 = arith.cmpi ne, %convert_element_type3A_233, %cond3A_234 : i32
          scf.if %cond3A_235 {
            "tpu.trace_start"() <{level = 10 : i32, message = "ep_wait_in"}> : () -> ()
            %mul3A_314 = arith.constant 128 : i32
            %mul3A_315 = arith.muli %mul3A_314, %add3A_175 : i32
            %eq3A_316 = arith.constant 781 : i32
            %eq3A_317 = arith.cmpi eq, %add3A_175, %eq3A_316 : i32
            %jit3A_318 = arith.constant 128 : i32
            %jit3A_319 = arith.constant 128 : i32
            %select_n3A_320 = arith.select %eq3A_317, %jit3A_318, %jit3A_319 : i32
            %multiple_of3A_321 = tpu.assume_multiple %select_n3A_320, 128 : i32
            %mul3A_322 = arith.constant 128 : i32
            %mul3A_323 = arith.muli %add3A_175, %mul3A_322 : i32
            %rem3A_324 = arith.constant 2 : i32
            %rem3A_325 = arith.remui %while3A_164, %rem3A_324 : i32
            %dma_wait3A = arith.constant 0 : i32
            %dma_wait3A_326 = arith.constant 0 : i32
            %dma_wait3A_327 = tpu.memref_slice %run_scoped3A[%rem3A_325, %dma_wait3A, %dma_wait3A_326] <%multiple_of3A_321> : memref<2x1x128xi32, #tpu.memory_space<vmem>> -> memref<1x1x?xi32, #tpu.memory_space<vmem>>
            %dma_wait3A_328 = tpu.memref_squeeze %dma_wait3A_327 : memref<1x1x?xi32, #tpu.memory_space<vmem>> -> memref<1x?xi32, #tpu.memory_space<vmem>>
            %dma_wait3A_329 = arith.constant 0 : i32
            %dma_wait3A_330 = tpu.memref_slice %arg3[%dma_wait3A_329, %mul3A_323] <%multiple_of3A_321> : memref<1x100000xi32, #tpu.memory_space<hbm>> -> memref<1x?xi32, #tpu.memory_space<hbm>>
            %dma_wait3A_331 = tpu.memref_slice %run_scoped3A_27[%rem3A_325] : memref<2x!tpu.dma_semaphore, #tpu.memory_space<semaphore_mem>> -> memref<1x!tpu.dma_semaphore, #tpu.memory_space<semaphore_mem>>
            %dma_wait3A_332 = tpu.memref_squeeze %dma_wait3A_331 : memref<1x!tpu.dma_semaphore, #tpu.memory_space<semaphore_mem>> -> memref<!tpu.dma_semaphore, #tpu.memory_space<semaphore_mem>>
            %dma_wait3A_333 = arith.constant 0 : i32
            %dma_wait3A_334 = arith.constant 0 : i32
            %dma_wait3A_335 = tpu.memref_slice %run_scoped3A[%rem3A_325, %dma_wait3A_333, %dma_wait3A_334] <%multiple_of3A_321> : memref<2x1x128xi32, #tpu.memory_space<vmem>> -> memref<1x1x?xi32, #tpu.memory_space<vmem>>
            %dma_wait3A_336 = tpu.memref_squeeze %dma_wait3A_335 : memref<1x1x?xi32, #tpu.memory_space<vmem>> -> memref<1x?xi32, #tpu.memory_space<vmem>>
            %dma_wait3A_337 = arith.constant 0 : i32
            %dma_wait3A_338 = tpu.memref_slice %arg3[%dma_wait3A_337, %mul3A_323] <%multiple_of3A_321> : memref<1x100000xi32, #tpu.memory_space<hbm>> -> memref<1x?xi32, #tpu.memory_space<hbm>>
            tpu.wait_dma2 semaphore(%dma_wait3A_332 : memref<!tpu.dma_semaphore, #tpu.memory_space<semaphore_mem>>) src(%dma_wait3A_338 : memref<1x?xi32, #tpu.memory_space<hbm>>) dst(%dma_wait3A_336 : memref<1x?xi32, #tpu.memory_space<vmem>>)
            "tpu.trace_stop"() : () -> ()
          } else {
          }
          %ne3A_236 = arith.cmpi ne, %add3A_175, %add3A_185 : i32
          %or3A_237 = arith.constant false
          %or3A_238 = arith.ori %or3A_237, %ne3A_236 : i1
          %or3A_239 = arith.constant false
          %or3A_240 = arith.ori %or3A_238, %or3A_239 : i1
          %or3A_241 = arith.ori %or3A_240, %eq3A_171 : i1
          %convert_element_type3A_242 = arith.extui %or3A_241 : i1 to i32
          %cond3A_243 = arith.constant 0 : i32
          %cond3A_244 = arith.cmpi ne, %convert_element_type3A_242, %cond3A_243 : i32
          scf.if %cond3A_244 {
          } else {
          }
          %rem3A_245 = arith.constant 2 : i32
          %rem3A_246 = arith.remui %while3A_164, %rem3A_245 : i32
          %rem3A_247 = arith.constant 2 : i32
          %rem3A_248 = arith.remui %while3A_165, %rem3A_247 : i32
          %run_scoped3A_249 = arith.constant 0 : i32
          "tpu.trace_start"() <{level = 10 : i32, message = "ep_run_kernel"}> : () -> ()
          "tpu.region"() ({
            %run_scoped3A_314 = tpu.sem_alloc : memref<!tpu.dma_semaphore, #tpu.memory_space<semaphore_mem>>
            %dma_start3A_315 = arith.constant 0 : i32
            %dma_start3A_316 = arith.constant 0 : i32
            %dma_start3A_317 = tpu.memref_slice %run_scoped3A_28[%rem3A_248, %dma_start3A_315, %dma_start3A_316] : memref<2x128x128xf32, #tpu.memory_space<vmem>> -> memref<1x128x128xf32, #tpu.memory_space<vmem>>
            %dma_start3A_318 = tpu.memref_squeeze %dma_start3A_317 : memref<1x128x128xf32, #tpu.memory_space<vmem>> -> memref<128x128xf32, #tpu.memory_space<vmem>>
            %dma_start3A_319 = arith.constant 0 : i32
            %dma_start3A_320 = arith.constant 0 : i32
            %dma_start3A_321 = tpu.memref_slice %run_scoped3A[%rem3A_246, %dma_start3A_319, %dma_start3A_320] : memref<2x1x128xi32, #tpu.memory_space<vmem>> -> memref<1x1x128xi32, #tpu.memory_space<vmem>>
            %dma_start3A_322 = tpu.memref_squeeze %dma_start3A_321 : memref<1x1x128xi32, #tpu.memory_space<vmem>> -> memref<1x128xi32, #tpu.memory_space<vmem>>
            %dma_start3A_323 = arith.constant 0 : i32
            %dma_start3A_324 = tpu.memref_slice %dma_start3A_322[%run_scoped3A_249, %dma_start3A_323] : memref<1x128xi32, #tpu.memory_space<vmem>> -> memref<1x128xi32, #tpu.memory_space<vmem>>
            %dma_start3A_325 = tpu.memref_squeeze %dma_start3A_324 : memref<1x128xi32, #tpu.memory_space<vmem>> -> memref<128xi32, #tpu.memory_space<vmem>>
            %dma_start3A_326 = arith.constant 0 : i32
            %dma_start3A_327 = arith.constant 0 : i32
            %dma_start3A_328 = tpu.memref_slice %arg5[%dma_start3A_326, %dma_start3A_327] : memref<96x128xf32, #tpu.memory_space<vmem_shared>> -> memref<96x128xf32, #tpu.memory_space<vmem_shared>>
            tpu.enqueue_indirect_dma source(%dma_start3A_328 : memref<96x128xf32, #tpu.memory_space<vmem_shared>>) target(%dma_start3A_318 : memref<128x128xf32, #tpu.memory_space<vmem>>) offsets(%dma_start3A_325 : memref<128xi32, #tpu.memory_space<vmem>>) semaphore(%run_scoped3A_314 : memref<!tpu.dma_semaphore, #tpu.memory_space<semaphore_mem>>)
            %dma_wait3A = arith.constant 0 : i32
            %dma_wait3A_329 = arith.constant 0 : i32
            %dma_wait3A_330 = tpu.memref_slice %run_scoped3A_28[%rem3A_248, %dma_wait3A, %dma_wait3A_329] : memref<2x128x128xf32, #tpu.memory_space<vmem>> -> memref<1x128x128xf32, #tpu.memory_space<vmem>>
            %dma_wait3A_331 = tpu.memref_squeeze %dma_wait3A_330 : memref<1x128x128xf32, #tpu.memory_space<vmem>> -> memref<128x128xf32, #tpu.memory_space<vmem>>
            %dma_wait3A_332 = arith.constant 0 : i32
            %dma_wait3A_333 = arith.constant 0 : i32
            %dma_wait3A_334 = tpu.memref_slice %run_scoped3A[%rem3A_246, %dma_wait3A_332, %dma_wait3A_333] : memref<2x1x128xi32, #tpu.memory_space<vmem>> -> memref<1x1x128xi32, #tpu.memory_space<vmem>>
            %dma_wait3A_335 = tpu.memref_squeeze %dma_wait3A_334 : memref<1x1x128xi32, #tpu.memory_space<vmem>> -> memref<1x128xi32, #tpu.memory_space<vmem>>
            %dma_wait3A_336 = arith.constant 0 : i32
            %dma_wait3A_337 = tpu.memref_slice %dma_wait3A_335[%run_scoped3A_249, %dma_wait3A_336] : memref<1x128xi32, #tpu.memory_space<vmem>> -> memref<1x128xi32, #tpu.memory_space<vmem>>
            %dma_wait3A_338 = tpu.memref_squeeze %dma_wait3A_337 : memref<1x128xi32, #tpu.memory_space<vmem>> -> memref<128xi32, #tpu.memory_space<vmem>>
            %dma_wait3A_339 = arith.constant 0 : i32
            %dma_wait3A_340 = arith.constant 0 : i32
            %dma_wait3A_341 = tpu.memref_slice %arg5[%dma_wait3A_339, %dma_wait3A_340] : memref<96x128xf32, #tpu.memory_space<vmem_shared>> -> memref<96x128xf32, #tpu.memory_space<vmem_shared>>
            tpu.wait_indirect_dma semaphore(%run_scoped3A_314 : memref<!tpu.dma_semaphore, #tpu.memory_space<semaphore_mem>>) src(%dma_wait3A_341 : memref<96x128xf32, #tpu.memory_space<vmem_shared>>) dst(%dma_wait3A_331 : memref<128x128xf32, #tpu.memory_space<vmem>>)
            tpu.yield
          }) : () -> ()
          "tpu.trace_stop"() : () -> ()
          %ne3A_250 = arith.cmpi ne, %add3A_175, %add3A_193 : i32
          %or3A_251 = arith.constant false
          %or3A_252 = arith.ori %or3A_251, %ne3A_250 : i1
          %or3A_253 = arith.ori %or3A_252, %eq3A_174 : i1
          %convert_element_type3A_254 = arith.extui %or3A_253 : i1 to i32
          %cond3A_255 = arith.constant 0 : i32
          %cond3A_256 = arith.cmpi ne, %convert_element_type3A_254, %cond3A_255 : i32
          scf.if %cond3A_256 {
          } else {
          }
          %and3A_257 = arith.constant false
          %and3A_258 = arith.andi %or3A_253, %and3A_257 : i1
          %ne3A_259 = arith.cmpi ne, %add3A_175, %add3A_193 : i32
          %or3A_260 = arith.constant false
          %or3A_261 = arith.ori %or3A_260, %ne3A_259 : i1
          %or3A_262 = arith.constant false
          %or3A_263 = arith.ori %or3A_261, %or3A_262 : i1
          %or3A_264 = arith.ori %or3A_263, %eq3A_174 : i1
          %convert_element_type3A_265 = arith.extui %or3A_264 : i1 to i32
          %cond3A_266 = arith.constant 0 : i32
          %cond3A_267 = arith.cmpi ne, %convert_element_type3A_265, %cond3A_266 : i32
          scf.if %cond3A_267 {
            "tpu.trace_start"() <{level = 10 : i32, message = "ep_copy_out"}> : () -> ()
            %rem3A_314 = arith.constant 2 : i32
            %rem3A_315 = arith.remui %while3A_165, %rem3A_314 : i32
            %mul3A_316 = arith.constant 128 : i32
            %mul3A_317 = arith.muli %mul3A_316, %add3A_175 : i32
            %eq3A_318 = arith.constant 781 : i32
            %eq3A_319 = arith.cmpi eq, %add3A_175, %eq3A_318 : i32
            %jit3A_320 = arith.constant 32 : i32
            %jit3A_321 = arith.constant 128 : i32
            %select_n3A_322 = arith.select %eq3A_319, %jit3A_320, %jit3A_321 : i32
            %multiple_of3A_323 = tpu.assume_multiple %select_n3A_322, 8 : i32
            %mul3A_324 = arith.constant 128 : i32
            %mul3A_325 = arith.muli %add3A_175, %mul3A_324 : i32
            %dma_start3A_326 = arith.constant 0 : i32
            %dma_start3A_327 = arith.constant 0 : i32
            %dma_start3A_328 = tpu.memref_slice %run_scoped3A_28[%rem3A_315, %dma_start3A_326, %dma_start3A_327] <%multiple_of3A_323> : memref<2x128x128xf32, #tpu.memory_space<vmem>> -> memref<1x?x128xf32, #tpu.memory_space<vmem>>
            %dma_start3A_329 = tpu.memref_squeeze %dma_start3A_328 : memref<1x?x128xf32, #tpu.memory_space<vmem>> -> memref<?x128xf32, #tpu.memory_space<vmem>>
            %dma_start3A_330 = arith.constant 0 : i32
            %dma_start3A_331 = tpu.memref_slice %arg4[%mul3A_325, %dma_start3A_330] <%multiple_of3A_323> : memref<100000x128xf32, #tpu.memory_space<hbm>> -> memref<?x128xf32, #tpu.memory_space<hbm>>
            %dma_start3A_332 = tpu.memref_slice %run_scoped3A_29[%rem3A_315] : memref<2x!tpu.dma_semaphore, #tpu.memory_space<semaphore_mem>> -> memref<1x!tpu.dma_semaphore, #tpu.memory_space<semaphore_mem>>
            %dma_start3A_333 = tpu.memref_squeeze %dma_start3A_332 : memref<1x!tpu.dma_semaphore, #tpu.memory_space<semaphore_mem>> -> memref<!tpu.dma_semaphore, #tpu.memory_space<semaphore_mem>>
            %dma_start3A_334 = arith.constant 0 : i32
            %dma_start3A_335 = tpu.memref_slice %arg4[%mul3A_325, %dma_start3A_334] <%multiple_of3A_323> : memref<100000x128xf32, #tpu.memory_space<hbm>> -> memref<?x128xf32, #tpu.memory_space<hbm>>
            %dma_start3A_336 = arith.constant 0 : i32
            %dma_start3A_337 = arith.constant 0 : i32
            %dma_start3A_338 = tpu.memref_slice %run_scoped3A_28[%rem3A_315, %dma_start3A_336, %dma_start3A_337] <%multiple_of3A_323> : memref<2x128x128xf32, #tpu.memory_space<vmem>> -> memref<1x?x128xf32, #tpu.memory_space<vmem>>
            %dma_start3A_339 = tpu.memref_squeeze %dma_start3A_338 : memref<1x?x128xf32, #tpu.memory_space<vmem>> -> memref<?x128xf32, #tpu.memory_space<vmem>>
            tpu.enqueue_dma source(%dma_start3A_339 : memref<?x128xf32, #tpu.memory_space<vmem>>) target(%dma_start3A_335 : memref<?x128xf32, #tpu.memory_space<hbm>>) target_semaphore(%dma_start3A_333 : memref<!tpu.dma_semaphore, #tpu.memory_space<semaphore_mem>>)
            "tpu.trace_stop"() : () -> ()
          } else {
          }
          %and3A_268 = arith.constant true
          %and3A_269 = arith.andi %or3A_264, %and3A_268 : i1
          %add3A_270 = arith.constant 1 : i32
          %add3A_271 = arith.addi %while3A_165, %add3A_270 : i32
          %select_n3A_272 = arith.select %and3A_269, %add3A_271, %while3A_165 : i32
          %ne3A_273 = arith.cmpi ne, %add3A_175, %add3A_185 : i32
          %or3A_274 = arith.constant false
          %or3A_275 = arith.ori %or3A_274, %ne3A_273 : i1
          %not3A_276 = arith.constant true
          %not3A_277 = arith.xori %eq3A_171, %not3A_276 : i1
          %and3A_278 = arith.andi %or3A_275, %not3A_277 : i1
          %convert_element_type3A_279 = arith.extui %and3A_278 : i1 to i32
          %cond3A_280 = arith.constant 0 : i32
          %cond3A_281 = arith.cmpi ne, %convert_element_type3A_279, %cond3A_280 : i32
          scf.if %cond3A_281 {
          } else {
          }
          %and3A_282 = arith.constant false
          %and3A_283 = arith.andi %and3A_278, %and3A_282 : i1
          %ne3A_284 = arith.cmpi ne, %add3A_175, %add3A_185 : i32
          %or3A_285 = arith.constant false
          %or3A_286 = arith.ori %or3A_285, %ne3A_284 : i1
          %or3A_287 = arith.constant false
          %or3A_288 = arith.ori %or3A_286, %or3A_287 : i1
          %not3A_289 = arith.constant true
          %not3A_290 = arith.xori %eq3A_171, %not3A_289 : i1
          %and3A_291 = arith.andi %or3A_288, %not3A_290 : i1
          %convert_element_type3A_292 = arith.extui %and3A_291 : i1 to i32
          %cond3A_293 = arith.constant 0 : i32
          %cond3A_294 = arith.cmpi ne, %convert_element_type3A_292, %cond3A_293 : i32
          scf.if %cond3A_294 {
            "tpu.trace_start"() <{level = 10 : i32, message = "ep_wait_out"}> : () -> ()
            %rem3A_314 = arith.constant 2 : i32
            %rem3A_315 = arith.remui %while3A_166, %rem3A_314 : i32
            %mul3A_316 = arith.constant 128 : i32
            %mul3A_317 = arith.muli %mul3A_316, %add3A_185 : i32
            %eq3A_318 = arith.constant 781 : i32
            %eq3A_319 = arith.cmpi eq, %add3A_185, %eq3A_318 : i32
            %jit3A_320 = arith.constant 32 : i32
            %jit3A_321 = arith.constant 128 : i32
            %select_n3A_322 = arith.select %eq3A_319, %jit3A_320, %jit3A_321 : i32
            %multiple_of3A_323 = tpu.assume_multiple %select_n3A_322, 8 : i32
            %mul3A_324 = arith.constant 128 : i32
            %mul3A_325 = arith.muli %add3A_185, %mul3A_324 : i32
            %dma_wait3A = arith.constant 0 : i32
            %dma_wait3A_326 = arith.constant 0 : i32
            %dma_wait3A_327 = tpu.memref_slice %run_scoped3A_28[%rem3A_315, %dma_wait3A, %dma_wait3A_326] <%multiple_of3A_323> : memref<2x128x128xf32, #tpu.memory_space<vmem>> -> memref<1x?x128xf32, #tpu.memory_space<vmem>>
            %dma_wait3A_328 = tpu.memref_squeeze %dma_wait3A_327 : memref<1x?x128xf32, #tpu.memory_space<vmem>> -> memref<?x128xf32, #tpu.memory_space<vmem>>
            %dma_wait3A_329 = arith.constant 0 : i32
            %dma_wait3A_330 = tpu.memref_slice %arg4[%mul3A_325, %dma_wait3A_329] <%multiple_of3A_323> : memref<100000x128xf32, #tpu.memory_space<hbm>> -> memref<?x128xf32, #tpu.memory_space<hbm>>
            %dma_wait3A_331 = tpu.memref_slice %run_scoped3A_29[%rem3A_315] : memref<2x!tpu.dma_semaphore, #tpu.memory_space<semaphore_mem>> -> memref<1x!tpu.dma_semaphore, #tpu.memory_space<semaphore_mem>>
            %dma_wait3A_332 = tpu.memref_squeeze %dma_wait3A_331 : memref<1x!tpu.dma_semaphore, #tpu.memory_space<semaphore_mem>> -> memref<!tpu.dma_semaphore, #tpu.memory_space<semaphore_mem>>
            %dma_wait3A_333 = arith.constant 0 : i32
            %dma_wait3A_334 = tpu.memref_slice %arg4[%mul3A_325, %dma_wait3A_333] <%multiple_of3A_323> : memref<100000x128xf32, #tpu.memory_space<hbm>> -> memref<?x128xf32, #tpu.memory_space<hbm>>
            %dma_wait3A_335 = arith.constant 0 : i32
            %dma_wait3A_336 = arith.constant 0 : i32
            %dma_wait3A_337 = tpu.memref_slice %run_scoped3A_28[%rem3A_315, %dma_wait3A_335, %dma_wait3A_336] <%multiple_of3A_323> : memref<2x128x128xf32, #tpu.memory_space<vmem>> -> memref<1x?x128xf32, #tpu.memory_space<vmem>>
            %dma_wait3A_338 = tpu.memref_squeeze %dma_wait3A_337 : memref<1x?x128xf32, #tpu.memory_space<vmem>> -> memref<?x128xf32, #tpu.memory_space<vmem>>
            tpu.wait_dma2 semaphore(%dma_wait3A_332 : memref<!tpu.dma_semaphore, #tpu.memory_space<semaphore_mem>>) src(%dma_wait3A_338 : memref<?x128xf32, #tpu.memory_space<vmem>>) dst(%dma_wait3A_334 : memref<?x128xf32, #tpu.memory_space<hbm>>)
            "tpu.trace_stop"() : () -> ()
          } else {
          }
          %and3A_295 = arith.constant true
          %and3A_296 = arith.andi %and3A_291, %and3A_295 : i1
          %add3A_297 = arith.constant 1 : i32
          %add3A_298 = arith.addi %while3A_166, %add3A_297 : i32
          %select_n3A_299 = arith.select %and3A_296, %add3A_298, %while3A_166 : i32
          %ne3A_300 = arith.cmpi ne, %add3A_175, %add3A_193 : i32
          %or3A_301 = arith.constant false
          %or3A_302 = arith.ori %or3A_301, %ne3A_300 : i1
          %or3A_303 = arith.ori %or3A_302, %eq3A_174 : i1
          %add3A_304 = arith.constant 1 : i32
          %add3A_305 = arith.addi %while3A_164, %add3A_304 : i32
          %select_n3A_306 = arith.select %or3A_303, %add3A_305, %while3A_164 : i32
          %add3A_307 = arith.constant 1 : i32
          %add3A_308 = arith.addi %while3A_167, %add3A_307 : i32
          %select_n3A_309 = arith.constant true
          %select_n3A_310 = arith.select %select_n3A_309, %add3A_308, %while3A_167 : i32
          %eq3A_311 = arith.cmpi eq, %select_n3A_310, %select_n3A : i32
          %select_n3A_312 = arith.constant 0 : i32
          %select_n3A_313 = arith.select %eq3A_311, %select_n3A_312, %select_n3A_310 : i32
          scf.yield %select_n3A_215, %select_n3A_306, %select_n3A_272, %select_n3A_299, %select_n3A_313 : i32, i32, i32, i32, i32
        }
        %sub3A_111 = arith.constant 1 : i32
        %sub3A_112 = arith.subi %while3A_110#4, %sub3A_111 : i32
        %select_n3A_113 = arith.constant true
        %select_n3A_114 = arith.select %select_n3A_113, %sub3A_112, %while3A_110#4 : i32
        %eq3A_115 = arith.constant -1 : i32
        %eq3A_116 = arith.cmpi eq, %select_n3A_114, %eq3A_115 : i32
        %sub3A_117 = arith.constant 1 : i32
        %sub3A_118 = arith.subi %select_n3A, %sub3A_117 : i32
        %select_n3A_119 = arith.select %eq3A_116, %sub3A_118, %select_n3A_114 : i32
        %sub3A_120 = arith.constant 1 : i32
        %sub3A_121 = arith.subi %mul3A_18, %sub3A_120 : i32
        %mul3A_122 = arith.constant 1 : i32
        %mul3A_123 = arith.muli %mul3A_122, %select_n3A : i32
        %eq3A_124 = arith.constant 0 : i32
        %eq3A_125 = arith.cmpi eq, %sub3A_121, %eq3A_124 : i32
        %sub3A_126 = arith.constant 1 : i32
        %sub3A_127 = arith.subi %mul3A_123, %sub3A_126 : i32
        %eq3A_128 = arith.cmpi eq, %sub3A_121, %sub3A_127 : i32
        %add3A_129 = arith.addi %select_n3A_119, %select_n3A_16 : i32
        %sub3A_130 = arith.constant 1 : i32
        %sub3A_131 = arith.subi %select_n3A_119, %sub3A_130 : i32
        %select_n3A_132 = arith.constant true
        %select_n3A_133 = arith.select %select_n3A_132, %sub3A_131, %select_n3A_119 : i32
        %eq3A_134 = arith.constant -1 : i32
        %eq3A_135 = arith.cmpi eq, %select_n3A_133, %eq3A_134 : i32
        %sub3A_136 = arith.constant 1 : i32
        %sub3A_137 = arith.subi %select_n3A, %sub3A_136 : i32
        %select_n3A_138 = arith.select %eq3A_135, %sub3A_137, %select_n3A_133 : i32
        %add3A_139 = arith.addi %select_n3A_138, %select_n3A_16 : i32
        %add3A_140 = arith.constant 1 : i32
        %add3A_141 = arith.addi %select_n3A_119, %add3A_140 : i32
        %select_n3A_142 = arith.constant true
        %select_n3A_143 = arith.select %select_n3A_142, %add3A_141, %select_n3A_119 : i32
        %eq3A_144 = arith.cmpi eq, %select_n3A_143, %select_n3A : i32
        %select_n3A_145 = arith.constant 0 : i32
        %select_n3A_146 = arith.select %eq3A_144, %select_n3A_145, %select_n3A_143 : i32
        %add3A_147 = arith.addi %select_n3A_146, %select_n3A_16 : i32
        %add3A_148 = arith.constant 1 : i32
        %add3A_149 = arith.addi %select_n3A_146, %add3A_148 : i32
        %select_n3A_150 = arith.constant true
        %select_n3A_151 = arith.select %select_n3A_150, %add3A_149, %select_n3A_146 : i32
        %eq3A_152 = arith.cmpi eq, %select_n3A_151, %select_n3A : i32
        %select_n3A_153 = arith.constant 0 : i32
        %select_n3A_154 = arith.select %eq3A_152, %select_n3A_153, %select_n3A_151 : i32
        %add3A_155 = arith.addi %select_n3A_154, %select_n3A_16 : i32
        %convert_element_type3A_156 = arith.extui %eq3A_128 : i1 to i32
        %cond3A_157 = arith.constant 0 : i32
        %cond3A_158 = arith.cmpi ne, %convert_element_type3A_156, %cond3A_157 : i32
        scf.if %cond3A_158 {
        } else {
        }
        %convert_element_type3A_159 = arith.extui %eq3A_128 : i1 to i32
        %cond3A_160 = arith.constant 0 : i32
        %cond3A_161 = arith.cmpi ne, %convert_element_type3A_159, %cond3A_160 : i32
        scf.if %cond3A_161 {
          "tpu.trace_start"() <{level = 10 : i32, message = "ep_finalize"}> : () -> ()
          %rem3A_162 = arith.constant 2 : i32
          %rem3A_163 = arith.remui %while3A_110#3, %rem3A_162 : i32
          %mul3A_164 = arith.constant 128 : i32
          %mul3A_165 = arith.muli %mul3A_164, %add3A_129 : i32
          %eq3A_166 = arith.constant 781 : i32
          %eq3A_167 = arith.cmpi eq, %add3A_129, %eq3A_166 : i32
          %jit3A_168 = arith.constant 32 : i32
          %jit3A_169 = arith.constant 128 : i32
          %select_n3A_170 = arith.select %eq3A_167, %jit3A_168, %jit3A_169 : i32
          %multiple_of3A_171 = tpu.assume_multiple %select_n3A_170, 8 : i32
          %mul3A_172 = arith.constant 128 : i32
          %mul3A_173 = arith.muli %add3A_129, %mul3A_172 : i32
          %dma_wait3A = arith.constant 0 : i32
          %dma_wait3A_174 = arith.constant 0 : i32
          %dma_wait3A_175 = tpu.memref_slice %run_scoped3A_28[%rem3A_163, %dma_wait3A, %dma_wait3A_174] <%multiple_of3A_171> : memref<2x128x128xf32, #tpu.memory_space<vmem>> -> memref<1x?x128xf32, #tpu.memory_space<vmem>>
          %dma_wait3A_176 = tpu.memref_squeeze %dma_wait3A_175 : memref<1x?x128xf32, #tpu.memory_space<vmem>> -> memref<?x128xf32, #tpu.memory_space<vmem>>
          %dma_wait3A_177 = arith.constant 0 : i32
          %dma_wait3A_178 = tpu.memref_slice %arg4[%mul3A_173, %dma_wait3A_177] <%multiple_of3A_171> : memref<100000x128xf32, #tpu.memory_space<hbm>> -> memref<?x128xf32, #tpu.memory_space<hbm>>
          %dma_wait3A_179 = tpu.memref_slice %run_scoped3A_29[%rem3A_163] : memref<2x!tpu.dma_semaphore, #tpu.memory_space<semaphore_mem>> -> memref<1x!tpu.dma_semaphore, #tpu.memory_space<semaphore_mem>>
          %dma_wait3A_180 = tpu.memref_squeeze %dma_wait3A_179 : memref<1x!tpu.dma_semaphore, #tpu.memory_space<semaphore_mem>> -> memref<!tpu.dma_semaphore, #tpu.memory_space<semaphore_mem>>
          %dma_wait3A_181 = arith.constant 0 : i32
          %dma_wait3A_182 = tpu.memref_slice %arg4[%mul3A_173, %dma_wait3A_181] <%multiple_of3A_171> : memref<100000x128xf32, #tpu.memory_space<hbm>> -> memref<?x128xf32, #tpu.memory_space<hbm>>
          %dma_wait3A_183 = arith.constant 0 : i32
          %dma_wait3A_184 = arith.constant 0 : i32
          %dma_wait3A_185 = tpu.memref_slice %run_scoped3A_28[%rem3A_163, %dma_wait3A_183, %dma_wait3A_184] <%multiple_of3A_171> : memref<2x128x128xf32, #tpu.memory_space<vmem>> -> memref<1x?x128xf32, #tpu.memory_space<vmem>>
          %dma_wait3A_186 = tpu.memref_squeeze %dma_wait3A_185 : memref<1x?x128xf32, #tpu.memory_space<vmem>> -> memref<?x128xf32, #tpu.memory_space<vmem>>
          tpu.wait_dma2 semaphore(%dma_wait3A_180 : memref<!tpu.dma_semaphore, #tpu.memory_space<semaphore_mem>>) src(%dma_wait3A_186 : memref<?x128xf32, #tpu.memory_space<vmem>>) dst(%dma_wait3A_182 : memref<?x128xf32, #tpu.memory_space<hbm>>)
          "tpu.trace_stop"() : () -> ()
        } else {
        }
      } else {
      }
      tpu.yield
    }) : () -> ()
    %mul3A_19 = arith.constant 2 : i32
    %mul3A_20 = arith.muli %arg1, %mul3A_19 : i32
    %add3A_21 = arith.addi %mul3A_20, %arg0 : i32
    %eq3A_22 = arith.constant 0 : i32
    %eq3A_23 = arith.cmpi eq, %add3A_21, %eq3A_22 : i32
    %convert_element_type3A_24 = arith.extui %eq3A_23 : i1 to i32
    %cond3A_25 = arith.constant 0 : i32
    %cond3A_26 = arith.cmpi ne, %convert_element_type3A_24, %cond3A_25 : i32
    scf.if %cond3A_26 {
      %run_scoped3A = arith.constant 0 : i32
      "tpu.region"() ({
        %run_scoped3A_27 = tpu.sem_alloc : memref<!tpu.dma_semaphore, #tpu.memory_space<semaphore_mem>>
        %dma_start3A = arith.constant 99968 : i32
        %dma_start3A_28 = tpu.memref_slice %arg3[%run_scoped3A, %dma_start3A] : memref<1x100000xi32, #tpu.memory_space<hbm>> -> memref<1x32xi32, #tpu.memory_space<hbm>>
        %dma_start3A_29 = tpu.memref_squeeze %dma_start3A_28 : memref<1x32xi32, #tpu.memory_space<hbm>> -> memref<32xi32, #tpu.memory_space<hbm>>
        %dma_start3A_30 = arith.constant 99968 : i32
        %dma_start3A_31 = tpu.memref_slice %arg3[%run_scoped3A, %dma_start3A_30] : memref<1x100000xi32, #tpu.memory_space<hbm>> -> memref<1x32xi32, #tpu.memory_space<hbm>>
        %dma_start3A_32 = tpu.memref_squeeze %dma_start3A_31 : memref<1x32xi32, #tpu.memory_space<hbm>> -> memref<32xi32, #tpu.memory_space<hbm>>
        tpu.enqueue_dma source(%dma_start3A_32 : memref<32xi32, #tpu.memory_space<hbm>>) target(%arg6 : memref<32xi32, #tpu.memory_space<vmem>>) target_semaphore(%run_scoped3A_27 : memref<!tpu.dma_semaphore, #tpu.memory_space<semaphore_mem>>)
        %dma_wait3A = arith.constant 99968 : i32
        %dma_wait3A_33 = tpu.memref_slice %arg3[%run_scoped3A, %dma_wait3A] : memref<1x100000xi32, #tpu.memory_space<hbm>> -> memref<1x32xi32, #tpu.memory_space<hbm>>
        %dma_wait3A_34 = tpu.memref_squeeze %dma_wait3A_33 : memref<1x32xi32, #tpu.memory_space<hbm>> -> memref<32xi32, #tpu.memory_space<hbm>>
        %dma_wait3A_35 = arith.constant 99968 : i32
        %dma_wait3A_36 = tpu.memref_slice %arg3[%run_scoped3A, %dma_wait3A_35] : memref<1x100000xi32, #tpu.memory_space<hbm>> -> memref<1x32xi32, #tpu.memory_space<hbm>>
        %dma_wait3A_37 = tpu.memref_squeeze %dma_wait3A_36 : memref<1x32xi32, #tpu.memory_space<hbm>> -> memref<32xi32, #tpu.memory_space<hbm>>
        tpu.wait_dma2 semaphore(%run_scoped3A_27 : memref<!tpu.dma_semaphore, #tpu.memory_space<semaphore_mem>>) src(%dma_wait3A_37 : memref<32xi32, #tpu.memory_space<hbm>>) dst(%arg6 : memref<32xi32, #tpu.memory_space<vmem>>)
        tpu.yield
      }) : () -> ()
      "tpu.region"() ({
        %run_scoped3A_27 = tpu.sem_alloc : memref<!tpu.dma_semaphore, #tpu.memory_space<semaphore_mem>>
        %dma_start3A = arith.constant 0 : i32
        %dma_start3A_28 = arith.constant 0 : i32
        %dma_start3A_29 = tpu.memref_slice %arg5[%dma_start3A, %dma_start3A_28] : memref<96x128xf32, #tpu.memory_space<vmem_shared>> -> memref<96x128xf32, #tpu.memory_space<vmem_shared>>
        tpu.enqueue_indirect_dma source(%dma_start3A_29 : memref<96x128xf32, #tpu.memory_space<vmem_shared>>) target(%arg7 : memref<32x128xf32, #tpu.memory_space<vmem>>) offsets(%arg6 : memref<32xi32, #tpu.memory_space<vmem>>) semaphore(%run_scoped3A_27 : memref<!tpu.dma_semaphore, #tpu.memory_space<semaphore_mem>>)
        %dma_wait3A = arith.constant 0 : i32
        %dma_wait3A_30 = arith.constant 0 : i32
        %dma_wait3A_31 = tpu.memref_slice %arg5[%dma_wait3A, %dma_wait3A_30] : memref<96x128xf32, #tpu.memory_space<vmem_shared>> -> memref<96x128xf32, #tpu.memory_space<vmem_shared>>
        tpu.wait_indirect_dma semaphore(%run_scoped3A_27 : memref<!tpu.dma_semaphore, #tpu.memory_space<semaphore_mem>>) src(%dma_wait3A_31 : memref<96x128xf32, #tpu.memory_space<vmem_shared>>) dst(%arg7 : memref<32x128xf32, #tpu.memory_space<vmem>>)
        tpu.yield
      }) : () -> ()
      "tpu.region"() ({
        %run_scoped3A_27 = tpu.sem_alloc : memref<!tpu.dma_semaphore, #tpu.memory_space<semaphore_mem>>
        %dma_start3A = arith.constant 99968 : i32
        %dma_start3A_28 = arith.constant 0 : i32
        %dma_start3A_29 = tpu.memref_slice %arg4[%dma_start3A, %dma_start3A_28] : memref<100000x128xf32, #tpu.memory_space<hbm>> -> memref<32x128xf32, #tpu.memory_space<hbm>>
        %dma_start3A_30 = arith.constant 99968 : i32
        %dma_start3A_31 = arith.constant 0 : i32
        %dma_start3A_32 = tpu.memref_slice %arg4[%dma_start3A_30, %dma_start3A_31] : memref<100000x128xf32, #tpu.memory_space<hbm>> -> memref<32x128xf32, #tpu.memory_space<hbm>>
        tpu.enqueue_dma source(%arg7 : memref<32x128xf32, #tpu.memory_space<vmem>>) target(%dma_start3A_32 : memref<32x128xf32, #tpu.memory_space<hbm>>) target_semaphore(%run_scoped3A_27 : memref<!tpu.dma_semaphore, #tpu.memory_space<semaphore_mem>>)
        %dma_wait3A = arith.constant 99968 : i32
        %dma_wait3A_33 = arith.constant 0 : i32
        %dma_wait3A_34 = tpu.memref_slice %arg4[%dma_wait3A, %dma_wait3A_33] : memref<100000x128xf32, #tpu.memory_space<hbm>> -> memref<32x128xf32, #tpu.memory_space<hbm>>
        %dma_wait3A_35 = arith.constant 99968 : i32
        %dma_wait3A_36 = arith.constant 0 : i32
        %dma_wait3A_37 = tpu.memref_slice %arg4[%dma_wait3A_35, %dma_wait3A_36] : memref<100000x128xf32, #tpu.memory_space<hbm>> -> memref<32x128xf32, #tpu.memory_space<hbm>>
        tpu.wait_dma2 semaphore(%run_scoped3A_27 : memref<!tpu.dma_semaphore, #tpu.memory_space<semaphore_mem>>) src(%arg7 : memref<32x128xf32, #tpu.memory_space<vmem>>) dst(%dma_wait3A_37 : memref<32x128xf32, #tpu.memory_space<hbm>>)
        tpu.yield
      }) : () -> ()
    } else {
    }
    return
  }
}

module attributes {stable_mosaic.version = 14 : i64} {
  func.func @_transform_body(%arg0: memref<96x128xf32, #tpu.memory_space<vmem>>, %arg1: memref<128x128xf32, #tpu.memory_space<vmem>>, %arg2: memref<96x128xf32, #tpu.memory_space<vmem>>) attributes {dimension_semantics = [], scalar_prefetch = 0 : i64, scratch_operands = 0 : i64, tpu.core_type = #tpu.core_type<tc>} {
    %get3A = arith.constant 0 : index
    %get3A_0 = arith.constant 0 : index
    %get3A_1 = vector.load %arg0[%get3A, %get3A_0] : memref<96x128xf32, #tpu.memory_space<vmem>>, vector<96x128xf32>
    %get3A_2 = arith.constant 0 : index
    %get3A_3 = arith.constant 0 : index
    %get3A_4 = vector.load %arg1[%get3A_2, %get3A_3] : memref<128x128xf32, #tpu.memory_space<vmem>>, vector<128x128xf32>
    %dot_general3A = arith.constant dense<0.000000e+00> : vector<96x128xf32>
    %dot_general3A_5 = tpu.matmul %get3A_1, %get3A_4, %dot_general3A {dimension_numbers = #tpu.dot_dimension_numbers<[1], [1], [0], [0], [0, 0, 1, 0], [], []>, transpose_lhs_hint = false} : vector<96x128xf32>, vector<128x128xf32>, vector<96x128xf32> -> vector<96x128xf32>
    %logistic3A = arith.negf %dot_general3A_5 : vector<96x128xf32>
    %logistic3A_6 = math.exp %logistic3A : vector<96x128xf32>
    %logistic3A_7 = arith.constant 1.000000e+00 : f32
    %logistic3A_8 = vector.broadcast %logistic3A_7 : f32 to vector<96x128xf32>
    %logistic3A_9 = arith.addf %logistic3A_8, %logistic3A_6 : vector<96x128xf32>
    %logistic3A_10 = arith.divf %logistic3A_8, %logistic3A_9 : vector<96x128xf32>
    %mul3A = arith.mulf %dot_general3A_5, %logistic3A_10 : vector<96x128xf32>
    %swap3A = arith.constant 0 : index
    %swap3A_11 = arith.constant 0 : index
    %swap3A_12 = vector.load %arg2[%swap3A, %swap3A_11] : memref<96x128xf32, #tpu.memory_space<vmem>>, vector<96x128xf32>
    tpu.vector_store %arg2[%swap3A, %swap3A_11], %mul3A {strides = array<i32>} : memref<96x128xf32, #tpu.memory_space<vmem>>, vector<96x128xf32>,
    return
  }
}

</mosaic_0001>

<sc_bundles>
// kernel: kernel.4.cloned.1.call-start
scs
__scs_entry_jumppad:
0x0: {  	(pc) =	sbr.rel $0x88, $3  }
0x1: {  	(tag) =	ssettag $0x0;
	lr =	simm.s32 $0x1  }
0x2: {  	[smem:$0x3F9E] =	sst lr;
	_ =	strace $0xD0000000  }
0x3: {  	_ = 	snop  }
0x4: {  	_ = 	snop  }
0x5: {  	_ = 	snop  }
0x6: {  	_ = 	snop  }
0x7: {  	_ = 	snop  }
__scs_overlays_trampoline_lowered:
0x8: {  	[smem:$0x3FAD] =	sst s0  }
0x9: {  	[smem:$0x3FAE] =	sst s1  }
0xa: {  	[smem:$0x3FAF] =	sst s2  }
0xb: {  	[smem:$0x3FB0] =	sst s3  }
0xc: {  	[smem:$0x3FB1] =	sst s4  }
0xd: {  	[smem:$0x3FB2] =	sst s5  }
0xe: {  	[smem:$0x3FB3] =	sst s6  }
0xf: {  	[smem:$0x3FB4] =	sst s7  }
0x10: {  	[smem:$0x3FB5] =	sst s8  }
0x11: {  	[smem:$0x3FB6] =	sst s9;
	s0 =	simm.s32 @!p0 $0x0  }
0x12: {  	s1 =	sld [smem:$0x3F9C];
	s0 =	simm.s32 @p0 $0x1  }
0x13: {  	[smem:$0x3FB7] =	sst s0;
	s0 =	simm.s32 @!p1 $0x0  }
0x14: {  	s2 =	sld [smem:$0x3F9B];
	s0 =	simm.s32 @p1 $0x1  }
0x15: {  	[smem:$0x3FB8] =	sst s0;
	s0 =	simm.s32 @!p2 $0x0  }
0x16: {  	s3 =	sld [smem:$0x3FDB];
	s0 =	simm.s32 @p2 $0x1  }
0x17: {  	s4 =	simm.s32 $0x1BF5;
	[smem:$0x3FBA] =	sst s0  }
0x18: {  	s0 =	sld [smem:$0x3F9D];
	_ =	swait.ge [sflag:s4], $0x0  }
0x19: {  	s7 =	sld [smem:$0x3F9E]  }
0x1a: {  	s8 =	sadd.s32 $0xFFFFE003, lr  }
0x1b: {  	s9 =	sadd.s32 $0xFFFFFEF7, lr;
	s5 =	simm.s32 $0xFFFFFFFF;
	p2 =	slt.u32 s8, $0xFFFFF086  }
0x1c: {  	p1 =	slt.u32 s9, $0xF7A;
	s5 =	simm.s32 @!p2 $0x0  }
0x1d: {  	s5 =	simm.s32 @p1 $0x1;
	p0 =	seq.s32 s7, s2  }
0x1e: {  	s7 =	smul.u32 @!p0 $0xF7A, s2;
	p2 =	seq.s32 @!p0 s5, $0x0  }
0x1f: {  	s9 =	smul.u32 $0xF7A, s1;
	s8 =	simm.s32 @!p0 $0x1BF5;
	p2 =	por !p2, p0  }
0x20: {  	[sflag:s8] =	ssyncset.s32 @!p0 $0xFFFFF086;
	s6 =	sadd.s32 @!p0 s3, s7;
	s7 =	simm.s32 @!p0 $0x108  }
0x21: {  	s3 =	sadd.s32 s3, s9;
	s6 =	sadd.s32 @!p0 $0x88, s6;
	s7 =	simm.s32 @p2 $0x1082  }
0x22: {  	[simem:s7], [sflag:s8] =	dma.local @!p0 [hbm:s6], $0xF7A  }
0x23: {  	s9 =	sor.u32 $0xD0000000, s2;
	s6 =	simm.s32 $0x108;
	_ =	swait.ge @!p0 [sflag:s8], $0x0  }
0x24: {  	s3 =	sadd.s32 $0x88, s3;
	s6 =	simm.s32 @!p1 $0x1082;
	[sflag:s4] =	ssyncset.s32 $0xFFFFF086  }
0x25: {  	[simem:s6], [sflag:s4] =	dma.local [hbm:s3], $0xF7A  }
0x26: {  	[smem:$0x3F9E] =	sst s1;
	(tag) =	ssettag s2;
	_ =	strace s9  }
0x27: {  	s1 =	sld [smem:$0x3FAE]  }
0x28: {  	s2 =	sld [smem:$0x3FAF]  }
0x29: {  	s4 =	sld [smem:$0x3FB1]  }
0x2a: {  	p0 =	seq.s32 s5, $0x0;
	s5 =	sld [smem:$0x3FB2]  }
0x2b: {  	s6 =	sld [smem:$0x3FB3]  }
0x2c: {  	s7 =	sld [smem:$0x3FB4]  }
0x2d: {  	s3 =	simm.s32 $0x108;
	s8 =	sld [smem:$0x3FB5]  }
0x2e: {  	s3 =	simm.s32 @!p0 $0x1082;
	s9 =	sld [smem:$0x3FB6]  }
0x2f: {  	lr =	sadd.s32 s0, s3;
	s0 =	sld [smem:$0x3FAD]  }
0x30: {  	s3 =	sld [smem:$0x3FB0]  }
0x31: {  	[smem:$0x3FB9] =	sst s10  }
0x32: {  	s10 =	sld [smem:$0x3FB7];
	_ =	sdelay $0x3  }
0x33: {  	p0 =	seq.s32 s10, $0x1;
	s10 =	sld [smem:$0x3FB9];
	_ =	sdelay $0x3  }
0x34: {  	[smem:$0x3FB9] =	sst s10  }
0x35: {  	s10 =	sld [smem:$0x3FB8];
	_ =	sdelay $0x3  }
0x36: {  	p1 =	seq.s32 s10, $0x1;
	s10 =	sld [smem:$0x3FB9];
	_ =	sdelay $0x3  }
0x37: {  	[smem:$0x3FB9] =	sst s10  }
0x38: {  	s10 =	sld [smem:$0x3FBA]  }
0x39: {  	_ = 	snop;
	(pc) =	sbr.ind lr, $3  }
0x3a: {  	_ = 	snop  }
0x3b: {  	_ = 	snop  }
0x3c: {  	p2 =	seq.s32 s10, $0x1;
	s10 =	sld [smem:$0x3FB9]  }
0x3d: {  	_ =	shalt  }
0x3e: {  	_ =	shalt  }
0x3f: {  	_ =	shalt  }
0x40: {  	_ =	shalt  }
0x41: {  	_ =	shalt  }
0x42: {  	_ =	shalt  }
0x43: {  	_ =	shalt  }
0x44: {  	_ =	shalt  }
0x45: {  	_ =	shalt  }
0x46: {  	_ =	shalt  }
0x47: {  	_ =	shalt  }
0x48: {  	_ =	shalt  }
0x49: {  	_ =	shalt  }
0x4a: {  	_ =	shalt  }
0x4b: {  	_ =	shalt  }
0x4c: {  	_ =	shalt  }
0x4d: {  	_ =	shalt  }
0x4e: {  	_ =	shalt  }
0x4f: {  	_ =	shalt  }
0x50: {  	_ =	shalt  }
0x51: {  	_ =	shalt  }
0x52: {  	_ =	shalt  }
0x53: {  	_ =	shalt  }
0x54: {  	_ =	shalt  }
0x55: {  	_ =	shalt  }
0x56: {  	_ =	shalt  }
0x57: {  	_ =	shalt  }
0x58: {  	_ =	shalt  }
0x59: {  	_ =	shalt  }
0x5a: {  	_ =	shalt  }
0x5b: {  	_ =	shalt  }
0x5c: {  	_ =	shalt  }
0x5d: {  	_ =	shalt  }
0x5e: {  	_ =	shalt  }
0x5f: {  	_ =	shalt  }
0x60: {  	_ =	shalt  }
0x61: {  	_ =	shalt  }
0x62: {  	_ =	shalt  }
0x63: {  	_ =	shalt  }
0x64: {  	_ =	shalt  }
0x65: {  	_ =	shalt  }
0x66: {  	_ =	shalt  }
0x67: {  	_ =	shalt  }
0x68: {  	_ =	shalt  }
0x69: {  	_ =	shalt  }
0x6a: {  	_ =	shalt  }
0x6b: {  	_ =	shalt  }
0x6c: {  	_ =	shalt  }
0x6d: {  	_ =	shalt  }
0x6e: {  	_ =	shalt  }
0x6f: {  	_ =	shalt  }
0x70: {  	_ =	shalt  }
0x71: {  	_ =	shalt  }
0x72: {  	_ =	shalt  }
0x73: {  	_ =	shalt  }
0x74: {  	_ =	shalt  }
0x75: {  	_ =	shalt  }
0x76: {  	_ =	shalt  }
0x77: {  	_ =	shalt  }
0x78: {  	_ =	shalt  }
0x79: {  	_ =	shalt  }
0x7a: {  	_ =	shalt  }
0x7b: {  	_ =	shalt  }
0x7c: {  	_ =	shalt  }
0x7d: {  	_ =	shalt  }
0x7e: {  	_ =	shalt  }
0x7f: {  	_ =	shalt  }
0x80: {  	_ =	shalt  }
0x81: {  	_ =	shalt  }
0x82: {  	_ =	shalt  }
0x83: {  	_ =	shalt  }
0x84: {  	_ =	shalt  }
0x85: {  	_ =	shalt  }
0x86: {  	_ =	shalt  }
0x87: {  	_ =	shalt  }
.Lfunc_end0:
.L_simem_size_0:
called_computation_lowered:
.L_overlay_start_0:
0x88: {  	s2 =	sld [smem:$0x3FD9]  }
0x89: {  	s3 =	sld [smem:$0x3FFE];
	_ =	sdelay $0x1  }
0x8a: {  	s1 =	srdreg.scid  }
0x8b: {  	s0 =	sand.u32 $0x1, s1  }
0x8c: {  	s17 =	sshll.u32 s0, $0xA;
	s2 =	sadd.s32 s3, s2  }
0x8d: {  	s2 =	sadd.s32 s2, s17  }
0x8e: {  	[smem:$0x3FC5] =	sst s2  }
0x8f: {  	_ = 	snop  }
0x90: {  	s2 =	sld [smem:$0x3FC9]  }
0x91: {  	s18 =	sld [smem:$0x3FD0];
	(tm) =	ssettm $0x1  }
0x92: {  	s4 =	sld [smem:$0x3FFB];
	_ =	sdelay $0x3  }
0x93: {  	_ =	strace s4  }
0x94: {  	s4 =	sld [smem:$0x3FFC];
	_ =	sdelay $0x3  }
0x95: {  	_ =	strace s4  }
0x96: {  	s4 =	sld [smem:$0x3FFD];
	_ =	sdelay $0x3  }
0x97: {  	_ =	strace s4  }
0x98: {  	_ =	strace $0x8FFFFFFF  }
0x99: {  	s19 =	sld [smem:$0x3FDB];
	_ =	sdelay $0x1  }
0x9a: {  	s5 =	simm.s32 $_scs_section_size  }
0x9b: {  	s6 =	simm.s32 $_size__tile_overlayer_lowered;
	s7 =	simm.s32 $_tile_overlayer_lowered  }
0x9c: {  	s22 =	simm.s32 $0x1BFF;
	s21 =	sshll.u32 s7, $0x1;
	s4 =	sadd.s32 s5, s19  }
0x9d: {  	s8 =	simm.s32 $0x0;
	s20 =	sshll.u32 s6, $0x1;
	s6 =	sadd.s32 s21, s4  }
0x9e: {  	[timem:s8], [sflag:s22] =	dma.local [hbm:s6], s20  }
0x9f: {  	_ =	swait.ge [sflag:s22], s20  }
0xa0: {  	s5 =	ssub.s32 $0x0, s20;
	[sflag:s22] =	ssyncset.done $0x0  }
0xa1: {  	[sflag:s22] =	ssyncadd.s32 s5;
	_ =	sdelay $0x1  }
0xa2: {  	s23 =	simm.s32 $0x1B8B  }
0xa3: {  	_ =	swait.ge [sflag:s23], $0x1  }
0xa4: {  	[sflag:s23] =	ssyncset.done $0x0  }
0xa5: {  	s25 =	simm.s32 $0x1B8E;
	s24 =	sld [smem:$0x3FFE];
	[sflag:s23] =	ssyncadd.s32 $0xFFFFFFFF  }
0xa6: {  	s26 =	simm.s32 $execute0_lowered;
	[smem:$0x3FD2] =	sst s25  }
0xa7: {  	s6 =	sshll.u32 s26, $0x1;
	_ =	strace $0x80000046;
	[dreg:$0x1] =	wrdreg $0xFFFFFFFF  }
0xa8: {  	s28 =	simm.s32 $_size_execute0_lowered;
	s4 =	sadd.s32 s4, s6;
	[dreg:$0x0] =	wrdreg $0x0  }
0xa9: {  	s6 =	sshll.u32 s28, $0x1;
	[dreg:$0x2] =	wrdreg s4  }
0xaa: {  	[dreg:$0x3] =	wrdreg s6  }
0xab: {  	[dreg:$0x4] =	wrdreg $0xC0  }
0xac: {  	_ =	task [dreg:s8], $0x5FFFF  }
0xad: {  	[dreg:$0x1] =	wrdreg $0xFFFFFFFF  }
0xae: {  	[dreg:$0x0] =	wrdreg $0x60  }
0xaf: {  	[dreg:$0x2] =	wrdreg s24  }
0xb0: {  	[dreg:$0x3] =	wrdreg s2  }
0xb1: {  	[dreg:$0x4] =	wrdreg s18  }
0xb2: {  	[dreg:$0x5] =	wrdreg $0x0  }
0xb3: {  	[dreg:$0x6] =	wrdreg $0x9  }
0xb4: {  	_ =	task.clear_ibuf [dreg:s8], $0x7FFFF;
	_ =	strace $0x90000046  }
0xb5: {  	s29 =	simm.s32 $0x9;
	_ =	strace $0x8000004F  }
0xb6: {  	_ =	swait.ge [sflag:s29], $0x1  }
0xb7: {  	[sflag:s29] =	ssyncadd.s32 $0xFFFFFFFF  }
0xb8: {  	_ =	strace $0x9000004F  }
0xb9: {  	_ =	sfence  }
0xba: {  	s30 =	sld [smem:$0x0];
	_ =	sdelay $0x2  }
0xbb: {  	s31 =	sshll.u32 s1, $0xD;
	s1 =	sshrl.u32 s1, $0x2  }
0xbc: {  	s3 =	sand.u32 $0x4000, s31;
	s1 =	sadd.s32 s1, s30  }
0xbd: {  	s0 =	sor.u32 s3, s0;
	s1 =	sshll.u32 s1, $0x11  }
0xbe: {  	s0 =	sor.u32 s1, s0  }
0xbf: {  	s0 =	sadd.s32 $0x8F2B, s0  }
0xc0: {  	[sflag:s0] =	ssyncadd.remote.s32 $0x1  }
0xc1: {  	_ =	sfence.sel $0xFFFF  }
0xc2: {  	[dreg:$0x0] =	wrdreg $0xFFFFFFFF;
	(pc) =	sbr.abs _section_cstart, $3  }
0xc3: {  	[dreg:$0x1] =	wrdreg $0xFFFFFFFF  }
0xc4: {  	_ =	task.clear_ibuf [dreg:s8], $0x2FFFF;
	_ =	strace $0x9FFFFFFF  }
0xc5: {  	(tm) =	ssettm $0x7FFFFFFF  }
tec
execute0_lowered:
.L_overlay_start_1:
0x0: {  	(tag) =	ssettag $0x1  }
0x1: {  	s6 =	rddreg [dreg:$0x0]  }
0x2: {  	s0 =	rddreg [dreg:$0x1]  }
0x3: {  	s1 =	srdreg.scid;
	s2 =	rddreg [dreg:$0x2]  }
0x4: {  	s14 =	stileid.u32;
	s3 =	rddreg [dreg:$0x3];
	s4 =	simm.s32 $0x0  }
0x5: {  	s15 =	simm.s32 $0x1380;
	s16 =	simm.s32 $0x80;
	s17 =	simm.s32 $0x5  }
0x6: {  	s11 =	sand.u32 $0x1, s1;
	[smem:$0x7FF] =	sst s4;
	s6 =	sadd.s32 $0x800, s6  }
0x7: {  	s18 =	sshll.u32 s14, $0x1;
	s12 =	sadd.s32 $0x186800, s2;
	s1 =	sshll.u32 s11, $0x4  }
0x8: {  	_ =	strace $0x80000047;
	s9 =	ssub.s32 $0x2, s11;
	s5 =	sor.u32 s14, s1  }
0x9: {  	s19 =	ssub.s32 $0x0, s11;
	s11 =	sadd.s32 $0x30D0, s0;
	s7 =	smul.u32 $0x18, s5  }
0xa: {  	s30 =	sshrl.u32 s9, $0x1;
	p1 =	sne.s32 s18, s19;
	s8 =	smul.u32 $0x19, s5  }
0xb: {  	s18 =	simm.s32 $0x0;
	p0 =	slt.u32 s5, $0xD;
	s5 =	sadd.s32 $0xD, s7  }
0xc: {  	s13 =	ssub.s32 s9, s30;
	s7 =	simm.s32 $0x19;
	s5 =	smov.u32 @p0 s8  }
0xd: {  	s13 =	smax.u32 s13, $0x1;
	s7 =	simm.s32 @!p0 $0x18;
	s10 =	sshll.u32 s5, $0x4  }
0xe: {  	p0 =	sne.s32 s14, $0x0;
	s9 =	sadd.s32 $0xFFFFFFFF, s7;
	s31 =	sand.u32 $0x1FFFFFF0, s10  }
0xf: {  	s14 =	sshrl.u32 @!p0 s3, $0x3;
	s10 =	sadd.s32 $0xFFFFFFFF, s5;
	s8 =	sadd.s32 s0, s31  }
.LBB2_1:
0x10: {  	s19 =	simm.s32 @!p0 $0x1C01  }
0x11: {  	[spmem:s14], [sflag:s19] =	dma.local @!p0 [hbm:s6], $0x600  }
0x12: {  	s19 =	simm.s32 @!p0 $0x1  }
0x13: {  	_ =	swait.ge @!p0 [sflag:s19], $0x600  }
0x14: {  	[sflag:s19] =	ssyncset.done @!p0 $0x0  }
0x15: {  	[sflag:s19] =	ssyncadd.s32 @!p0 $0xFFFFFA00  }
0x16: {  	s25 =	simm.s32 $0x0;
	s20 =	simm.s32 $0x0;
	[bflag:$0x0] =	sbarrier.arrive $0xFFFF  }
0x17: {  	s21 =	simm.s32 $0x0;
	s23 =	simm.s32 $0x1;
	_ =	strace $0x80000048  }
0x18: {  	[tilespmem:s15], [sflag:$0x1] =	stream.linear.gather [hbm4b:s8+s4], $0x80, $0x200038;
	[tilespmem:$0x9480] =	vst v63  }
0x19: {  	s24 =	simm.s32 $0x0;
	s19 =	simm.s32 $0x0;
	_ =	strace $0x90000048  }
.LBB2_2:
0x1a: {  	s22 =	sadd.s32 $0x1, s25  }
0x1b: {  	p3 =	slt.u32 s24, s9;
	p2 =	seq.s32 s22, s7  }
0x1c: {  	s26 =	sadd.s32 $0xFFFFFFFF, s25;
	p4 =	seq.s32 s25, $0x0;
	s22 =	simm.s32 @p2 $0x0  }
0x1d: {  	s26 =	smov.u32 @p4 s9;
	p4 =	seq.s32 s24, $0x0;
	p2 =	sne.s32 s25, s22  }
0x1e: {  	p6 =	seq.s32 s9, s24;
	p5 =	seq.s32 @!p4 s25, s26;
	p3 =	por !p3, !p2  }
0x1f: {  	p4 =	por p4, !p5;
	p5 =	sne.s32 s25, s26;
	p3 =	por !p3, !p3  }
0x20: {  	p2 =	por p6, p2;
	p6 =	sne.s32 s24, $0x0;
	s28 =	sadd.s32 @p3 s5, s22  }
0x21: {  	_ =	strace @p3 $0x80000049;
	s29 =	sand.u32 @p3 $0x1, s23;
	s28 =	sshll.u32 @p3 s28, $0x4  }
0x22: {  	s30 =	sadd.s32 @p3 $0x1, s29;
	s29 =	sshll.u32 @p3 s29, $0x7;
	s28 =	sand.u32 @p3 $0x1FFFFFF0, s28  }
0x23: {  	s31 =	simm.s32 @p3 $0x0;
	s29 =	sadd.s32 @p3 $0x1380, s29;
	s28 =	sadd.s32 @p3 s0, s28  }
0x24: {  	[tilespmem:s29], [sflag:s30] =	stream.linear.gather @p3 [hbm4b:s28+s31], $0x80, $0x200038;
	[tilespmem:$0x9480] =	vst v63  }
0x25: {  	p6 =	por !p6, !p5;
	s28 =	sand.u32 @p4 $0x1, s21;
	_ =	strace @p3 $0x90000049  }
0x26: {  	s29 =	simm.s32 $0x1;
	s28 =	sadd.s32 @p4 $0x1, s28;
	_ =	strace @p4 $0x8000004A  }
0x27: {  	s30 =	sand.u32 $0x1, s20;
	s31 =	sshll.u32 s21, $0x7;
	_ =	swait.ge @p4 [sflag:s28], $0x80  }
0x28: {  	s1 =	sshll.u32 s30, $0xE;
	s31 =	sand.u32 $0x80, s31;
	[sflag:s28] =	ssyncset.done @p4 $0x0  }
0x29: {  	s29 =	simm.s32 @!p3 $0x0;
	s1 =	sor.u32 $0x1480, s1;
	[sflag:s28] =	ssyncadd.s32 @p4 $0xFFFFFF80  }
0x2a: {  	s31 =	sadd.s32 $0x1380, s31;
	s23 =	sadd.s32 s29, s23;
	_ =	strace @p4 $0x9000004A  }
0x2b: {  	s29 =	simm.s32 @p2 $0x0;
	s28 =	sadd.s32 s5, s25;
	_ =	strace $0x8000004B  }
0x2c: {  	[tilespmem:s1], [sflag:$0x5] =	stream.indirect.gather [spmem:s3], $0x80, s31, s16, $0x2000b8;
	[tilespmem:$0x9480] =	vst v63  }
0x2d: {  	s25 =	sadd.s32 s5, s26;
	p3 =	seq.s32 @p2 s28, $0x30D;
	_ =	swait.ge [sflag:s17], $0x4000  }
0x2e: {  	s26 =	sshll.u32 @p2 s28, $0xB;
	s28 =	sadd.s32 @p2 $0x3, s30;
	[sflag:s17] =	ssyncset.done $0x0  }
0x2f: {  	p3 =	por !p3, !p2;
	s26 =	sand.u32 @p2 $0x1FFFF800, s26;
	[sflag:s17] =	ssyncadd.s32 $0xFFFFC000  }
0x30: {  	s31 =	simm.s32 @p2 $0x1000;
	s26 =	sadd.s32 @p2 s2, s26;
	_ =	strace $0x9000004B  }
0x31: {  	s31 =	simm.s32 @p3 $0x4000;
	p3 =	por !p6, !p6;
	_ =	strace @p2 $0x8000004C  }
0x32: {  	[hbm4b:s26+s29] =	stream.linear.scatter @p2 [tilespmem:s1], [sflag:s28], s31, $0x200038;
	[tilespmem:$0x9480] =	vst v63  }
0x33: {  	s24 =	sadd.s32 $0x1, s24;
	s1 =	simm.s32 $0x1;
	s26 =	simm.s32 @p3 $0x1000  }
0x34: {  	_ =	strace @p2 $0x9000004C;
	s1 =	simm.s32 @!p2 $0x0;
	p2 =	seq.s32 @p3 s25, $0x30D  }
0x35: {  	s28 =	simm.s32 @p3 $0xFFFFF000;
	s25 =	sand.u32 @p3 $0x1, s19;
	p2 =	por !p2, !p3  }
0x36: {  	s26 =	simm.s32 @p2 $0x4000;
	s28 =	simm.s32 @p2 $0xFFFFC000;
	p2 =	sne.s32 s7, s24  }
.Ltmp0:
0x37: {  	_ =	strace @p3 $0x8000004D;
	s25 =	sadd.s32 @p3 $0x3, s25;
	(pc) =	sbr.rel @p2 .LBB2_2-.Ltmp0, $4  }
0x38: {  	_ =	swait.ge @p3 [sflag:s25], s26  }
0x39: {  	s20 =	sadd.s32 s1, s20;
	s26 =	simm.s32 $0x1;
	[sflag:s25] =	ssyncset.done @p3 $0x0  }
0x3a: {  	s21 =	sadd.s32 s1, s21;
	s26 =	simm.s32 @!p3 $0x0;
	[sflag:s25] =	ssyncadd.s32 @p3 s28  }
0x3b: {  	s19 =	sadd.s32 s26, s19;
	s25 =	smov.u32 s22;
	_ =	strace @p3 $0x9000004D  }
0x3c: {  	p2 =	seq.s32 s22, $0x0  }
0x3d: {  	s22 =	smov.u32 @p2 s7  }
0x3e: {  	s1 =	sadd.s32 s22, s10  }
0x3f: {  	s19 =	sand.u32 $0x1, s19;
	p2 =	seq.s32 s1, $0x30D;
	s1 =	simm.s32 $0x1000  }
0x40: {  	_ =	strace $0x8000004E;
	s19 =	sadd.s32 $0x3, s19;
	s1 =	simm.s32 @!p2 $0x4000  }
0x41: {  	s20 =	simm.s32 $0xFFFFF000;
	_ =	swait.ge [sflag:s19], s1  }
0x42: {  	s20 =	simm.s32 @!p2 $0xFFFFC000;
	[sflag:s19] =	ssyncset.done $0x0  }
0x43: {  	s1 =	simm.s32 @!p1 $0x0;
	[sflag:s19] =	ssyncadd.s32 s20  }
0x44: {  	s19 =	simm.s32 @!p1 $0x300;
	s20 =	simm.s32 @!p1 $0x1;
	_ =	strace $0x9000004E  }
0x45: {  	[tilespmem:s19], [sflag:$0x1] =	stream.linear.gather @!p1 [hbm4b:s11+s1], $0x80, $0x38;
	[tilespmem:$0x9480] =	vst v63  }
0x46: {  	_ =	swait.ge @!p1 [sflag:s20], $0x80  }
0x47: {  	[sflag:s20] =	ssyncset.done @!p1 $0x0  }
0x48: {  	s21 =	simm.s32 @!p1 $0x20;
	s22 =	simm.s32 @!p1 $0x380;
	[sflag:s20] =	ssyncadd.s32 @!p1 $0xFFFFFF80  }
0x49: {  	[tilespmem:s22], [sflag:$0x1] =	stream.indirect.gather @!p1 [spmem:s3], $0x80, s19, s21, $0xb8;
	[tilespmem:$0x9480] =	vst v63  }
0x4a: {  	s18 =	sadd.s32 $0x1, s18;
	_ =	swait.ge @!p1 [sflag:s20], $0x1000  }
0x4b: {  	p2 =	sne.s32 s18, s13;
	[sflag:s20] =	ssyncset.done @!p1 $0x0  }
.Ltmp1:
0x4c: {  	[sflag:s20] =	ssyncadd.s32 @!p1 $0xFFFFF000;
	(pc) =	sbr.rel @p2 .LBB2_1-.Ltmp1, $4  }
0x4d: {  	[hbm4b:s12+s1] =	stream.linear.scatter @!p1 [tilespmem:s22], [sflag:$0x1], $0x1000, $0x38;
	[tilespmem:$0x9480] =	vst v63  }
0x4e: {  	_ =	swait.ge @!p1 [sflag:s20], $0x1000  }
0x4f: {  	[sflag:s20] =	ssyncset.done @!p1 $0x0  }
0x50: {  	[sflag:s20] =	ssyncadd.s32 @!p1 $0xFFFFF000  }
0x51: {  	_ =	sfence.sel $0x180000  }
0x52: {  	[bflag:$0x0] =	sbarrier.arrive $0xFFFF  }
0x53: {  	_ =	strace $0x90000047  }
0x54: {  	[bflag:$0x2] =	sbarrier.arrive $0xFFFF  }
0x55: {  	s0 =	rddreg [dreg:$0x4]  }
0x56: {  	s0 =	sadd.s32 @!p0 $0x100000, s0  }
0x57: {  	[sflag:s0] =	ssyncadd.tile.s32 @!p0 $0x1;
	_ =	shalt  }
.Lfunc_end2:
_tile_overlayer_lowered:
.L_overlay_start_2:
0x58: {  	(tag) =	ssettag $0x2  }
0x59: {  	s0 =	rddreg [dreg:$0x0];
	s2 =	stileid.u32  }
0x5a: {  	s1 =	rddreg [dreg:$0x1];
	p0 =	sne.s32 s2, $0x0  }
0x5b: {  	s3 =	rddreg [dreg:$0x2];
	[bflag:$0x3] =	sbarrier.arrive $0xFFFF;
	s2 =	simm.s32 @!p0 $0x1C01  }
0x5c: {  	[timem:s3], [sflag:s2] =	dma.local @!p0 [hbm:s0], s1  }
0x5d: {  	s0 =	simm.s32 @!p0 $0x1  }
0x5e: {  	_ =	swait.ge @!p0 [sflag:s0], s1  }
0x5f: {  	s1 =	ssub.s32 @!p0 $0x0, s1;
	[sflag:s0] =	ssyncset.done @!p0 $0x0  }
0x60: {  	[sflag:s0] =	ssyncadd.s32 @!p0 s1  }
0x61: {  	[bflag:$0x3] =	sbarrier.arrive $0xFFFF  }
0x62: {  	_ =	shalt  }

</sc_bundles>
